<compile_context>
chip_gen: v7x
topology: tpu7x:2x2x1
jax: 0.10.2.dev20260603
libtpu: 0.0.44.dev20260713+nightly
codegen_flags: <defaults>
</compile_context>

<pallas_src>
import functools

import jax
import jax.numpy as jnp
from jax import lax
from jax.experimental import pallas as pl
from jax.experimental.pallas import tpu as pltpu
from jax.experimental.pallas import tpu_sc as plsc

B = 40
N = 250
NT = B * N
E = 320000
F0, F1, F2, F3 = 128, 64, 32, 16
T = 16
BN = 16

_NC = 2
_NS = 16
_NW = _NC * _NS
_L = 16

_KT = 78208
_APAD = _NW * _KT
_CHUNK = 20000
_NCHUNKS = E // _CHUNK
_U = 10
_INNER = _CHUNK // (_L * _U)
_ER, _EC = 8, 40000


def _adj_counts_body(qkeys, ckeys, aq_out, ac_out, a_v, k0, k1, sem0, sem1):
    cid = lax.axis_index("c")
    sid = lax.axis_index("s")
    wid = sid * _NC + cid
    base = wid * _KT
    kt_u = jnp.full((_L,), _KT, dtype=jnp.uint32)
    ones = jnp.ones((_L,), jnp.float32)
    zeros = jnp.zeros((_L,), jnp.float32)
    bufs = ((k0, sem0), (k1, sem1))

    for keys_hbm, out_hbm in ((qkeys, aq_out), (ckeys, ac_out)):
        def zero_body(i, _):
            for j in range(8):
                a_v[pl.ds(i * (8 * _L) + j * _L, _L)] = zeros
            return 0

        lax.fori_loop(0, _KT // (8 * _L), zero_body, 0)

        pltpu.make_async_copy(keys_hbm.at[pl.ds(0, _CHUNK)], k0, sem0).start()

        def outer(i, _):
            for b in range(2):
                ci = i * 2 + b
                kv, sem = bufs[b]
                nkv, nsem = bufs[1 - b]

                @pl.when(ci + 1 < _NCHUNKS)
                def _():
                    pltpu.make_async_copy(
                        keys_hbm.at[pl.ds((ci + 1) * _CHUNK, _CHUNK)],
                        nkv, nsem).start()

                pltpu.make_async_copy(
                    keys_hbm.at[pl.ds(ci * _CHUNK, _CHUNK)], kv, sem).wait()

                def inner(k, _):
                    off = k * (_L * _U)
                    for j in range(_U):
                        loc = kv[pl.ds(off + j * _L, _L)] - base
                        m = plsc.bitcast(loc, jnp.uint32) < kt_u
                        plsc.addupdate_scatter(a_v, [loc], ones, mask=m)
                    return 0

                lax.fori_loop(0, _INNER, inner, 0)
            return 0

        lax.fori_loop(0, _NCHUNKS // 2, outer, 0)
        pltpu.sync_copy(a_v, out_hbm.at[pl.ds(base, _KT)])


@functools.cache
def _adj_counts():
    mesh = plsc.VectorSubcoreMesh(core_axis_name="c", subcore_axis_name="s")
    return pl.kernel(
        _adj_counts_body,
        mesh=mesh,
        out_type=(
            jax.ShapeDtypeStruct((_APAD,), jnp.float32),
            jax.ShapeDtypeStruct((_APAD,), jnp.float32),
        ),
        scratch_types=[
            pltpu.VMEM((_KT,), jnp.float32),
            pltpu.VMEM((_CHUNK,), jnp.int32),
            pltpu.VMEM((_CHUNK,), jnp.int32),
            pltpu.SemaphoreType.DMA,
            pltpu.SemaphoreType.DMA,
        ],
        compiler_params=pltpu.CompilerParams(needs_layout_passes=False),
    )


def _keys_body(qsrc_ref, qdst_ref, csrc_ref, cdst_ref, qk_ref, ck_ref):
    for s_ref, d_ref, k_ref in ((qsrc_ref, qdst_ref, qk_ref),
                                (csrc_ref, cdst_ref, ck_ref)):
        s = s_ref[...]
        d = d_ref[...]
        k_ref[...] = d * N + lax.rem(s, N)


def _edge_keys(q_edge_index, c_edge_index):
    qs = q_edge_index[0].reshape(_ER, _EC)
    qd = q_edge_index[1].reshape(_ER, _EC)
    cs = c_edge_index[0].reshape(_ER, _EC)
    cd = c_edge_index[1].reshape(_ER, _EC)
    qk, ck = pl.pallas_call(
        _keys_body,
        out_shape=[jax.ShapeDtypeStruct((_ER, _EC), jnp.int32)] * 2,
    )(qs, qd, cs, cd)
    return qk.reshape(E), ck.reshape(E)


def _sigmoid(x):
    return 1.0 / (1.0 + jnp.exp(-x))


def _tanh(x):
    e2 = jnp.exp(2.0 * x)
    return 1.0 - 2.0 / (e2 + 1.0)


def _gcn_layer(a, dinv_col, h):
    g = dinv_col * h
    return dinv_col * (jnp.dot(a, g, preferred_element_type=jnp.float32, precision=lax.Precision.HIGHEST) + g)


def _side(a_ref, x_ref, w1, b1, w2, b2, w3, b3, attwt):
    a = a_ref[0]
    deg = jnp.sum(a, axis=1, keepdims=True) + 1.0
    dinv = lax.rsqrt(deg)
    x = x_ref[0]
    h = jnp.dot(x, w1, preferred_element_type=jnp.float32) + b1
    h = jnp.maximum(_gcn_layer(a, dinv, h), 0.0)
    h = jnp.dot(h, w2, preferred_element_type=jnp.float32) + b2
    h = jnp.maximum(_gcn_layer(a, dinv, h), 0.0)
    h = jnp.dot(h, w3, preferred_element_type=jnp.float32) + b3
    h3 = _gcn_layer(a, dinv, h)
    hm = jnp.dot(h3, attwt, preferred_element_type=jnp.float32)
    ctx = _tanh(jnp.sum(hm, axis=0, keepdims=True) * (1.0 / N))
    sig = _sigmoid(jnp.sum(h3 * ctx, axis=1, keepdims=True))
    return jnp.sum(h3 * sig, axis=0, keepdims=True)


def _gnn_pool_body(aq_ref, xq_ref, ac_ref, xc_ref, w1_ref, b1_ref, w2_ref,
                   b2_ref, w3_ref, b3_ref, attwt_ref, e1_ref, e2_ref):
    w1, b1 = w1_ref[...], b1_ref[...]
    w2, b2 = w2_ref[...], b2_ref[...]
    w3, b3 = w3_ref[...], b3_ref[...]
    attwt = attwt_ref[...]
    e1_ref[0] = _side(aq_ref, xq_ref, w1, b1, w2, b2, w3, b3, attwt)
    e2_ref[0] = _side(ac_ref, xc_ref, w1, b1, w2, b2, w3, b3, attwt)


def _head_body(e1_ref, e2_ref, aw_ref, bwt_ref, bias_ref, f1wt_ref, f1b_ref,
               f2wt_ref, f2b_ref, out_ref):
    e1 = e1_ref[...]
    e2 = e2_ref[...]

    cols = []
    for k in range(T):
        t = jnp.dot(e1, aw_ref[k], preferred_element_type=jnp.float32)
        cols.append(jnp.sum(t * e2, axis=1, keepdims=True))
    ntn = jnp.concatenate(cols, axis=1)
    lin = jnp.dot(jnp.concatenate([e1, e2], axis=1), bwt_ref[...],
                  preferred_element_type=jnp.float32)
    s = jnp.maximum(ntn + lin + bias_ref[...], 0.0)
    s = jnp.maximum(jnp.dot(s, f1wt_ref[...],
                            preferred_element_type=jnp.float32)
                    + f1b_ref[...], 0.0)
    out_ref[...] = _sigmoid(
        jnp.sum(s * f2wt_ref[...], axis=1, keepdims=True) + f2b_ref[...])


def kernel(q_x, q_edge_index, c_x, c_edge_index, qgraph_sizes, cgraph_sizes,
           W1, b1, W2, b2, W3, b3, att_W, ntn_a_W, ntn_b_W, ntn_bias,
           fc1_W, fc1_b, fc2_W, fc2_b):
    qkeys, ckeys = _edge_keys(q_edge_index, c_edge_index)
    aq_flat, ac_flat = _adj_counts()(qkeys, ckeys)
    aq = aq_flat[: NT * N].reshape(B, N, N)
    ac = ac_flat[: NT * N].reshape(B, N, N)
    xq = q_x.reshape(B, N, F0)
    xc = c_x.reshape(B, N, F0)

    e1, e2 = pl.pallas_call(
        _gnn_pool_body,
        grid=(B,),
        in_specs=[
            pl.BlockSpec((1, N, N), lambda b: (b, 0, 0)),
            pl.BlockSpec((1, N, F0), lambda b: (b, 0, 0)),
            pl.BlockSpec((1, N, N), lambda b: (b, 0, 0)),
            pl.BlockSpec((1, N, F0), lambda b: (b, 0, 0)),
            pl.BlockSpec((F0, F1), lambda b: (0, 0)),
            pl.BlockSpec((1, F1), lambda b: (0, 0)),
            pl.BlockSpec((F1, F2), lambda b: (0, 0)),
            pl.BlockSpec((1, F2), lambda b: (0, 0)),
            pl.BlockSpec((F2, F3), lambda b: (0, 0)),
            pl.BlockSpec((1, F3), lambda b: (0, 0)),
            pl.BlockSpec((F3, F3), lambda b: (0, 0)),
        ],
        out_specs=[
            pl.BlockSpec((1, 1, F3), lambda b: (b, 0, 0)),
            pl.BlockSpec((1, 1, F3), lambda b: (b, 0, 0)),
        ],
        out_shape=[
            jax.ShapeDtypeStruct((B, 1, F3), jnp.float32),
            jax.ShapeDtypeStruct((B, 1, F3), jnp.float32),
        ],
    )(aq, xq, ac, xc, W1, b1.reshape(1, F1), W2, b2.reshape(1, F2),
      W3, b3.reshape(1, F3), att_W.T)
    e1 = e1.reshape(B, F3)
    e2 = e2.reshape(B, F3)

    score = pl.pallas_call(
        _head_body,
        out_shape=jax.ShapeDtypeStruct((B, 1), jnp.float32),
    )(e1, e2, ntn_a_W, ntn_b_W.T, ntn_bias.reshape(1, T),
      fc1_W.T, fc1_b.reshape(1, BN), fc2_W, fc2_b.reshape(1, 1))

    return score[:, 0]

# --- scband reference (transcript-rebuilt; emitter-appended) ---
"""Pipeline reference for scband-sim-gnn-21680994910650 (READ-ONLY COPY).

The authoritative reference and input builder live on the scoring server;
editing this copy changes nothing except your own understanding.
"""

import jax, jax.numpy as jnp
import numpy as np

B = 40
N = 250
NT = B * N
E = 320000
F0, F1, F2, F3 = 128, 64, 32, 16
T = 16
BN = 16


def _make_edges(k1, k2, k3):
    gid = jax.random.randint(k1, (E,), 0, B, dtype=jnp.int32)
    src = jax.random.randint(k2, (E,), 0, N, dtype=jnp.int32) + gid * N
    dst = jax.random.randint(k3, (E,), 0, N, dtype=jnp.int32) + gid * N
    return jnp.stack([src, dst]).astype(jnp.int32)


def setup_inputs(seed: int = 0) -> dict:
    key = jax.random.key(seed)
    ks = jax.random.split(key, 24)
    q_x = jax.random.normal(ks[0], (NT, F0), dtype=jnp.float32)
    c_x = jax.random.normal(ks[1], (NT, F0), dtype=jnp.float32)
    q_edge_index = _make_edges(ks[2], ks[3], ks[4])
    c_edge_index = _make_edges(ks[5], ks[6], ks[7])
    qgraph_sizes = jnp.full((B,), N, dtype=jnp.int32)
    cgraph_sizes = jnp.full((B,), N, dtype=jnp.int32)
    def xav(k, shape):
        fan_in, fan_out = shape[-1], shape[0]
        a = float(np.sqrt(6.0 / (fan_in + fan_out)))
        return jax.random.uniform(k, shape, jnp.float32, -a, a)
    params = {
        'W1': xav(ks[8], (F0, F1)), 'b1': jnp.zeros((F1,), jnp.float32),
        'W2': xav(ks[9], (F1, F2)), 'b2': jnp.zeros((F2,), jnp.float32),
        'W3': xav(ks[10], (F2, F3)), 'b3': jnp.zeros((F3,), jnp.float32),
        'att_W': xav(ks[11], (F3, F3)),
        'ntn_a_W': jax.random.uniform(ks[12], (T, F3, F3), jnp.float32, -0.2, 0.2),
        'ntn_b_W': xav(ks[13], (T, 2 * F3)),
        'ntn_bias': jax.random.uniform(ks[14], (T, 1), jnp.float32, -0.3, 0.3),
        'fc1_W': xav(ks[15], (BN, T)), 'fc1_b': jnp.zeros((BN,), jnp.float32),
        'fc2_W': xav(ks[16], (1, BN)), 'fc2_b': jnp.zeros((1,), jnp.float32),
    }
    inp = {'q_x': q_x, 'q_edge_index': q_edge_index, 'c_x': c_x,
           'c_edge_index': c_edge_index, 'qgraph_sizes': qgraph_sizes,
           'cgraph_sizes': cgraph_sizes}
    inp.update(params)
    return inp


def _gcn(x, src, dst, W, b):
    n = x.shape[0]
    sl = jnp.arange(n, dtype=src.dtype)
    s = jnp.concatenate([src, sl])
    d = jnp.concatenate([dst, sl])
    deg = jnp.zeros((n,), x.dtype).at[d].add(1.0)
    dinv = jnp.where(deg > 0, 1.0 / jnp.sqrt(deg), 0.0)
    h = x @ W + b
    coef = (dinv[s] * dinv[d])[:, None]
    return jnp.zeros((n, h.shape[1]), h.dtype).at[d].add(h[s] * coef)


def _gnn(x, ei, W1, b1, W2, b2, W3, b3):
    src, dst = ei[0], ei[1]
    h = jax.nn.relu(_gcn(x, src, dst, W1, b1))
    h = jax.nn.relu(_gcn(h, src, dst, W2, b2))
    h = _gcn(h, src, dst, W3, b3)
    return h


def _att_pool(h, sizes, att_W):
    # h: [B, N, F3]
    ctx = jnp.tanh(jnp.sum(h @ att_W.T, axis=1) / sizes[:, None].astype(h.dtype))
    sig = jax.nn.sigmoid(jnp.einsum('bnf,bf->bn', h, ctx))
    return jnp.einsum('bnf,bn->bf', h, sig)


def reference(q_x, q_edge_index, c_x, c_edge_index, qgraph_sizes, cgraph_sizes,
              W1, b1, W2, b2, W3, b3, att_W, ntn_a_W, ntn_b_W, ntn_bias,
              fc1_W, fc1_b, fc2_W, fc2_b):
    qh = _gnn(q_x, q_edge_index, W1, b1, W2, b2, W3, b3).reshape(B, N, F3)
    ch = _gnn(c_x, c_edge_index, W1, b1, W2, b2, W3, b3).reshape(B, N, F3)
    e1 = _att_pool(qh, qgraph_sizes, att_W)
    e2 = _att_pool(ch, cgraph_sizes, att_W)
    ntn = jnp.einsum('bi,kij,bj->bk', e1, ntn_a_W, e2)
    lin = jnp.concatenate([e1, e2], axis=-1) @ ntn_b_W.T
    scores = jax.nn.relu(ntn + lin + ntn_bias.squeeze())
    scores = jax.nn.relu(scores @ fc1_W.T + fc1_b)
    score = jax.nn.sigmoid(scores @ fc2_W.T + fc2_b)
    return score.squeeze()

if __name__ == "__main__":
    import jax
    _d = setup_inputs()
    print(jax.jit(kernel)(*tuple(_d.values())))

</pallas_src>

<mosaic_0001>
#map = affine_map<(d0, d1) -> (0)>
module attributes {stable_mosaic.version = 14 : i64} {
  func.func @_adj_counts_body(%arg0: i32, %arg1: i32, %arg2: memref<320000xi32, #tpu.memory_space<hbm>>, %arg3: memref<320000xi32, #tpu.memory_space<hbm>>, %arg4: memref<2502656xf32, #tpu.memory_space<hbm>>, %arg5: memref<2502656xf32, #tpu.memory_space<hbm>>, %arg6: memref<78208xf32, #tpu.memory_space<vmem>>, %arg7: memref<20000xi32, #tpu.memory_space<vmem>>, %arg8: memref<20000xi32, #tpu.memory_space<vmem>>, %arg9: memref<!tpu.dma_semaphore, #tpu.memory_space<semaphore_mem>>, %arg10: memref<!tpu.dma_semaphore, #tpu.memory_space<semaphore_mem>>) attributes {dimension_semantics = [#tpu.dimension_semantics<core_parallel>, #tpu.dimension_semantics<subcore_parallel>], iteration_bounds = array<i64: 2, 16>, scalar_prefetch = 0 : i64, scratch_operands = 5 : i64, tpu.core_type = #tpu.core_type<sc_vector_subcore>, window_params = [{transform_indices = #map}, {transform_indices = #map}, {transform_indices = #map}, {transform_indices = #map}]} {
    %mul3A = arith.constant 2 : i32
    %mul3A_0 = arith.muli %arg1, %mul3A : i32
    %add3A = arith.addi %mul3A_0, %arg0 : i32
    %mul3A_1 = arith.constant 78208 : i32
    %mul3A_2 = arith.muli %add3A, %mul3A_1 : i32
    %broadcast_in_dim3A = arith.constant 78208 : i32
    %broadcast_in_dim3A_3 = vector.broadcast %broadcast_in_dim3A : i32 to vector<16xi32>
    %broadcast_in_dim3A_4 = arith.constant 1.000000e+00 : f32
    %broadcast_in_dim3A_5 = vector.broadcast %broadcast_in_dim3A_4 : f32 to vector<16xf32>
    %broadcast_in_dim3A_6 = arith.constant 0.000000e+00 : f32
    %broadcast_in_dim3A_7 = vector.broadcast %broadcast_in_dim3A_6 : f32 to vector<16xf32>
    %scan3A = arith.constant 0 : i32
    %scan3A_8 = arith.constant 0 : i32
    %scan3A_9 = arith.constant 611 : i32
    %scan3A_10 = arith.addi %scan3A_8, %scan3A_9 : i32
    %scan3A_11 = arith.constant 1 : i32
    %scan3A_12 = scf.for %scan3A_42 = %scan3A_8 to %scan3A_10 step %scan3A_11 iter_args(%scan3A_43 = %scan3A) -> (i32)  : i32 {
      %mul3A_44 = arith.constant 128 : i32
      %mul3A_45 = arith.muli %scan3A_42, %mul3A_44 : i32
      %add3A_46 = arith.constant 0 : i32
      %add3A_47 = arith.addi %mul3A_45, %add3A_46 : i32
      %swap3A = arith.index_cast %add3A_47 : i32 to index
      %swap3A_48 = tpu.vector_load %arg6[%swap3A] {strides = array<i32>} : memref<78208xf32, #tpu.memory_space<vmem>>, vector<16xf32>,
      tpu.vector_store %arg6[%swap3A], %broadcast_in_dim3A_7 {strides = array<i32>} : memref<78208xf32, #tpu.memory_space<vmem>>, vector<16xf32>,
      %mul3A_49 = arith.constant 128 : i32
      %mul3A_50 = arith.muli %scan3A_42, %mul3A_49 : i32
      %add3A_51 = arith.constant 16 : i32
      %add3A_52 = arith.addi %mul3A_50, %add3A_51 : i32
      %swap3A_53 = arith.index_cast %add3A_52 : i32 to index
      %swap3A_54 = tpu.vector_load %arg6[%swap3A_53] {strides = array<i32>} : memref<78208xf32, #tpu.memory_space<vmem>>, vector<16xf32>,
      tpu.vector_store %arg6[%swap3A_53], %broadcast_in_dim3A_7 {strides = array<i32>} : memref<78208xf32, #tpu.memory_space<vmem>>, vector<16xf32>,
      %mul3A_55 = arith.constant 128 : i32
      %mul3A_56 = arith.muli %scan3A_42, %mul3A_55 : i32
      %add3A_57 = arith.constant 32 : i32
      %add3A_58 = arith.addi %mul3A_56, %add3A_57 : i32
      %swap3A_59 = arith.index_cast %add3A_58 : i32 to index
      %swap3A_60 = tpu.vector_load %arg6[%swap3A_59] {strides = array<i32>} : memref<78208xf32, #tpu.memory_space<vmem>>, vector<16xf32>,
      tpu.vector_store %arg6[%swap3A_59], %broadcast_in_dim3A_7 {strides = array<i32>} : memref<78208xf32, #tpu.memory_space<vmem>>, vector<16xf32>,
      %mul3A_61 = arith.constant 128 : i32
      %mul3A_62 = arith.muli %scan3A_42, %mul3A_61 : i32
      %add3A_63 = arith.constant 48 : i32
      %add3A_64 = arith.addi %mul3A_62, %add3A_63 : i32
      %swap3A_65 = arith.index_cast %add3A_64 : i32 to index
      %swap3A_66 = tpu.vector_load %arg6[%swap3A_65] {strides = array<i32>} : memref<78208xf32, #tpu.memory_space<vmem>>, vector<16xf32>,
      tpu.vector_store %arg6[%swap3A_65], %broadcast_in_dim3A_7 {strides = array<i32>} : memref<78208xf32, #tpu.memory_space<vmem>>, vector<16xf32>,
      %mul3A_67 = arith.constant 128 : i32
      %mul3A_68 = arith.muli %scan3A_42, %mul3A_67 : i32
      %add3A_69 = arith.constant 64 : i32
      %add3A_70 = arith.addi %mul3A_68, %add3A_69 : i32
      %swap3A_71 = arith.index_cast %add3A_70 : i32 to index
      %swap3A_72 = tpu.vector_load %arg6[%swap3A_71] {strides = array<i32>} : memref<78208xf32, #tpu.memory_space<vmem>>, vector<16xf32>,
      tpu.vector_store %arg6[%swap3A_71], %broadcast_in_dim3A_7 {strides = array<i32>} : memref<78208xf32, #tpu.memory_space<vmem>>, vector<16xf32>,
      %mul3A_73 = arith.constant 128 : i32
      %mul3A_74 = arith.muli %scan3A_42, %mul3A_73 : i32
      %add3A_75 = arith.constant 80 : i32
      %add3A_76 = arith.addi %mul3A_74, %add3A_75 : i32
      %swap3A_77 = arith.index_cast %add3A_76 : i32 to index
      %swap3A_78 = tpu.vector_load %arg6[%swap3A_77] {strides = array<i32>} : memref<78208xf32, #tpu.memory_space<vmem>>, vector<16xf32>,
      tpu.vector_store %arg6[%swap3A_77], %broadcast_in_dim3A_7 {strides = array<i32>} : memref<78208xf32, #tpu.memory_space<vmem>>, vector<16xf32>,
      %mul3A_79 = arith.constant 128 : i32
      %mul3A_80 = arith.muli %scan3A_42, %mul3A_79 : i32
      %add3A_81 = arith.constant 96 : i32
      %add3A_82 = arith.addi %mul3A_80, %add3A_81 : i32
      %swap3A_83 = arith.index_cast %add3A_82 : i32 to index
      %swap3A_84 = tpu.vector_load %arg6[%swap3A_83] {strides = array<i32>} : memref<78208xf32, #tpu.memory_space<vmem>>, vector<16xf32>,
      tpu.vector_store %arg6[%swap3A_83], %broadcast_in_dim3A_7 {strides = array<i32>} : memref<78208xf32, #tpu.memory_space<vmem>>, vector<16xf32>,
      %mul3A_85 = arith.constant 128 : i32
      %mul3A_86 = arith.muli %scan3A_42, %mul3A_85 : i32
      %add3A_87 = arith.constant 112 : i32
      %add3A_88 = arith.addi %mul3A_86, %add3A_87 : i32
      %swap3A_89 = arith.index_cast %add3A_88 : i32 to index
      %swap3A_90 = tpu.vector_load %arg6[%swap3A_89] {strides = array<i32>} : memref<78208xf32, #tpu.memory_space<vmem>>, vector<16xf32>,
      tpu.vector_store %arg6[%swap3A_89], %broadcast_in_dim3A_7 {strides = array<i32>} : memref<78208xf32, #tpu.memory_space<vmem>>, vector<16xf32>,
      %scan3A_91 = arith.constant 0 : i32
      scf.yield %scan3A_91 : i32
    }
    %scan3A_13 = arith.constant 611 : i32
    %dma_start3A = arith.constant 0 : i32
    %dma_start3A_14 = tpu.memref_slice %arg2[%dma_start3A] : memref<320000xi32, #tpu.memory_space<hbm>> -> memref<20000xi32, #tpu.memory_space<hbm>>
    %dma_start3A_15 = arith.constant 0 : i32
    %dma_start3A_16 = tpu.memref_slice %arg2[%dma_start3A_15] : memref<320000xi32, #tpu.memory_space<hbm>> -> memref<20000xi32, #tpu.memory_space<hbm>>
    tpu.enqueue_dma source(%dma_start3A_16 : memref<20000xi32, #tpu.memory_space<hbm>>) target(%arg7 : memref<20000xi32, #tpu.memory_space<vmem>>) target_semaphore(%arg9 : memref<!tpu.dma_semaphore, #tpu.memory_space<semaphore_mem>>)
    %scan3A_17 = arith.constant 0 : i32
    %scan3A_18 = arith.constant 0 : i32
    %scan3A_19 = arith.constant 8 : i32
    %scan3A_20 = arith.addi %scan3A_18, %scan3A_19 : i32
    %scan3A_21 = arith.constant 1 : i32
    %scan3A_22 = scf.for %scan3A_42 = %scan3A_18 to %scan3A_20 step %scan3A_21 iter_args(%scan3A_43 = %scan3A_17) -> (i32)  : i32 {
      %mul3A_44 = arith.constant 2 : i32
      %mul3A_45 = arith.muli %scan3A_42, %mul3A_44 : i32
      %add3A_46 = arith.constant 0 : i32
      %add3A_47 = arith.addi %mul3A_45, %add3A_46 : i32
      %add3A_48 = arith.constant 1 : i32
      %add3A_49 = arith.addi %add3A_47, %add3A_48 : i32
      %lt3A = arith.constant 16 : i32
      %lt3A_50 = arith.cmpi slt, %add3A_49, %lt3A : i32
      %convert_element_type3A = arith.extui %lt3A_50 : i1 to i32
      %cond3A = arith.constant 0 : i32
      %cond3A_51 = arith.cmpi ne, %convert_element_type3A, %cond3A : i32
      scf.if %cond3A_51 {
        %add3A_85 = arith.constant 1 : i32
        %add3A_86 = arith.addi %add3A_47, %add3A_85 : i32
        %mul3A_87 = arith.constant 20000 : i32
        %mul3A_88 = arith.muli %add3A_86, %mul3A_87 : i32
        %dma_start3A_89 = tpu.memref_slice %arg2[%mul3A_88] : memref<320000xi32, #tpu.memory_space<hbm>> -> memref<20000xi32, #tpu.memory_space<hbm>>
        %dma_start3A_90 = tpu.memref_slice %arg2[%mul3A_88] : memref<320000xi32, #tpu.memory_space<hbm>> -> memref<20000xi32, #tpu.memory_space<hbm>>
        tpu.enqueue_dma source(%dma_start3A_90 : memref<20000xi32, #tpu.memory_space<hbm>>) target(%arg8 : memref<20000xi32, #tpu.memory_space<vmem>>) target_semaphore(%arg10 : memref<!tpu.dma_semaphore, #tpu.memory_space<semaphore_mem>>)
      } else {
      }
      %mul3A_52 = arith.constant 20000 : i32
      %mul3A_53 = arith.muli %add3A_47, %mul3A_52 : i32
      %dma_wait3A = tpu.memref_slice %arg2[%mul3A_53] : memref<320000xi32, #tpu.memory_space<hbm>> -> memref<20000xi32, #tpu.memory_space<hbm>>
      %dma_wait3A_54 = tpu.memref_slice %arg2[%mul3A_53] : memref<320000xi32, #tpu.memory_space<hbm>> -> memref<20000xi32, #tpu.memory_space<hbm>>
      tpu.wait_dma2 semaphore(%arg9 : memref<!tpu.dma_semaphore, #tpu.memory_space<semaphore_mem>>) src(%dma_wait3A_54 : memref<20000xi32, #tpu.memory_space<hbm>>) dst(%arg7 : memref<20000xi32, #tpu.memory_space<vmem>>)
      %scan3A_55 = arith.constant 0 : i32
      %scan3A_56 = arith.constant 0 : i32
      %scan3A_57 = arith.constant 125 : i32
      %scan3A_58 = arith.addi %scan3A_56, %scan3A_57 : i32
      %scan3A_59 = arith.constant 1 : i32
      %scan3A_60 = scf.for %scan3A_85 = %scan3A_56 to %scan3A_58 step %scan3A_59 iter_args(%scan3A_86 = %scan3A_55) -> (i32)  : i32 {
        %mul3A_87 = arith.constant 160 : i32
        %mul3A_88 = arith.muli %scan3A_85, %mul3A_87 : i32
        %add3A_89 = arith.constant 0 : i32
        %add3A_90 = arith.addi %mul3A_88, %add3A_89 : i32
        %get3A = arith.index_cast %add3A_90 : i32 to index
        %get3A_91 = tpu.vector_load %arg7[%get3A] {strides = array<i32>} : memref<20000xi32, #tpu.memory_space<vmem>>, vector<16xi32>,
        %sub3A = vector.broadcast %mul3A_2 : i32 to vector<16xi32>
        %sub3A_92 = arith.subi %get3A_91, %sub3A : vector<16xi32>
        %bitcast3A = vector.bitcast %sub3A_92 : vector<16xi32> to vector<16xi32>
        %lt3A_93 = arith.cmpi ult, %bitcast3A, %broadcast_in_dim3A_3 : vector<16xi32>
        tpu.vector_store_idx %arg6[%sub3A_92], %broadcast_in_dim3A_5 masked %lt3A_93 {add = true} : memref<78208xf32, #tpu.memory_space<vmem>>[vector<16xi32>], vector<16xf32>, vector<16xi1>
        %add3A_94 = arith.constant 16 : i32
        %add3A_95 = arith.addi %mul3A_88, %add3A_94 : i32
        %get3A_96 = arith.index_cast %add3A_95 : i32 to index
        %get3A_97 = tpu.vector_load %arg7[%get3A_96] {strides = array<i32>} : memref<20000xi32, #tpu.memory_space<vmem>>, vector<16xi32>,
        %sub3A_98 = vector.broadcast %mul3A_2 : i32 to vector<16xi32>
        %sub3A_99 = arith.subi %get3A_97, %sub3A_98 : vector<16xi32>
        %bitcast3A_100 = vector.bitcast %sub3A_99 : vector<16xi32> to vector<16xi32>
        %lt3A_101 = arith.cmpi ult, %bitcast3A_100, %broadcast_in_dim3A_3 : vector<16xi32>
        tpu.vector_store_idx %arg6[%sub3A_99], %broadcast_in_dim3A_5 masked %lt3A_101 {add = true} : memref<78208xf32, #tpu.memory_space<vmem>>[vector<16xi32>], vector<16xf32>, vector<16xi1>
        %add3A_102 = arith.constant 32 : i32
        %add3A_103 = arith.addi %mul3A_88, %add3A_102 : i32
        %get3A_104 = arith.index_cast %add3A_103 : i32 to index
        %get3A_105 = tpu.vector_load %arg7[%get3A_104] {strides = array<i32>} : memref<20000xi32, #tpu.memory_space<vmem>>, vector<16xi32>,
        %sub3A_106 = vector.broadcast %mul3A_2 : i32 to vector<16xi32>
        %sub3A_107 = arith.subi %get3A_105, %sub3A_106 : vector<16xi32>
        %bitcast3A_108 = vector.bitcast %sub3A_107 : vector<16xi32> to vector<16xi32>
        %lt3A_109 = arith.cmpi ult, %bitcast3A_108, %broadcast_in_dim3A_3 : vector<16xi32>
        tpu.vector_store_idx %arg6[%sub3A_107], %broadcast_in_dim3A_5 masked %lt3A_109 {add = true} : memref<78208xf32, #tpu.memory_space<vmem>>[vector<16xi32>], vector<16xf32>, vector<16xi1>
        %add3A_110 = arith.constant 48 : i32
        %add3A_111 = arith.addi %mul3A_88, %add3A_110 : i32
        %get3A_112 = arith.index_cast %add3A_111 : i32 to index
        %get3A_113 = tpu.vector_load %arg7[%get3A_112] {strides = array<i32>} : memref<20000xi32, #tpu.memory_space<vmem>>, vector<16xi32>,
        %sub3A_114 = vector.broadcast %mul3A_2 : i32 to vector<16xi32>
        %sub3A_115 = arith.subi %get3A_113, %sub3A_114 : vector<16xi32>
        %bitcast3A_116 = vector.bitcast %sub3A_115 : vector<16xi32> to vector<16xi32>
        %lt3A_117 = arith.cmpi ult, %bitcast3A_116, %broadcast_in_dim3A_3 : vector<16xi32>
        tpu.vector_store_idx %arg6[%sub3A_115], %broadcast_in_dim3A_5 masked %lt3A_117 {add = true} : memref<78208xf32, #tpu.memory_space<vmem>>[vector<16xi32>], vector<16xf32>, vector<16xi1>
        %add3A_118 = arith.constant 64 : i32
        %add3A_119 = arith.addi %mul3A_88, %add3A_118 : i32
        %get3A_120 = arith.index_cast %add3A_119 : i32 to index
        %get3A_121 = tpu.vector_load %arg7[%get3A_120] {strides = array<i32>} : memref<20000xi32, #tpu.memory_space<vmem>>, vector<16xi32>,
        %sub3A_122 = vector.broadcast %mul3A_2 : i32 to vector<16xi32>
        %sub3A_123 = arith.subi %get3A_121, %sub3A_122 : vector<16xi32>
        %bitcast3A_124 = vector.bitcast %sub3A_123 : vector<16xi32> to vector<16xi32>
        %lt3A_125 = arith.cmpi ult, %bitcast3A_124, %broadcast_in_dim3A_3 : vector<16xi32>
        tpu.vector_store_idx %arg6[%sub3A_123], %broadcast_in_dim3A_5 masked %lt3A_125 {add = true} : memref<78208xf32, #tpu.memory_space<vmem>>[vector<16xi32>], vector<16xf32>, vector<16xi1>
        %add3A_126 = arith.constant 80 : i32
        %add3A_127 = arith.addi %mul3A_88, %add3A_126 : i32
        %get3A_128 = arith.index_cast %add3A_127 : i32 to index
        %get3A_129 = tpu.vector_load %arg7[%get3A_128] {strides = array<i32>} : memref<20000xi32, #tpu.memory_space<vmem>>, vector<16xi32>,
        %sub3A_130 = vector.broadcast %mul3A_2 : i32 to vector<16xi32>
        %sub3A_131 = arith.subi %get3A_129, %sub3A_130 : vector<16xi32>
        %bitcast3A_132 = vector.bitcast %sub3A_131 : vector<16xi32> to vector<16xi32>
        %lt3A_133 = arith.cmpi ult, %bitcast3A_132, %broadcast_in_dim3A_3 : vector<16xi32>
        tpu.vector_store_idx %arg6[%sub3A_131], %broadcast_in_dim3A_5 masked %lt3A_133 {add = true} : memref<78208xf32, #tpu.memory_space<vmem>>[vector<16xi32>], vector<16xf32>, vector<16xi1>
        %add3A_134 = arith.constant 96 : i32
        %add3A_135 = arith.addi %mul3A_88, %add3A_134 : i32
        %get3A_136 = arith.index_cast %add3A_135 : i32 to index
        %get3A_137 = tpu.vector_load %arg7[%get3A_136] {strides = array<i32>} : memref<20000xi32, #tpu.memory_space<vmem>>, vector<16xi32>,
        %sub3A_138 = vector.broadcast %mul3A_2 : i32 to vector<16xi32>
        %sub3A_139 = arith.subi %get3A_137, %sub3A_138 : vector<16xi32>
        %bitcast3A_140 = vector.bitcast %sub3A_139 : vector<16xi32> to vector<16xi32>
        %lt3A_141 = arith.cmpi ult, %bitcast3A_140, %broadcast_in_dim3A_3 : vector<16xi32>
        tpu.vector_store_idx %arg6[%sub3A_139], %broadcast_in_dim3A_5 masked %lt3A_141 {add = true} : memref<78208xf32, #tpu.memory_space<vmem>>[vector<16xi32>], vector<16xf32>, vector<16xi1>
        %add3A_142 = arith.constant 112 : i32
        %add3A_143 = arith.addi %mul3A_88, %add3A_142 : i32
        %get3A_144 = arith.index_cast %add3A_143 : i32 to index
        %get3A_145 = tpu.vector_load %arg7[%get3A_144] {strides = array<i32>} : memref<20000xi32, #tpu.memory_space<vmem>>, vector<16xi32>,
        %sub3A_146 = vector.broadcast %mul3A_2 : i32 to vector<16xi32>
        %sub3A_147 = arith.subi %get3A_145, %sub3A_146 : vector<16xi32>
        %bitcast3A_148 = vector.bitcast %sub3A_147 : vector<16xi32> to vector<16xi32>
        %lt3A_149 = arith.cmpi ult, %bitcast3A_148, %broadcast_in_dim3A_3 : vector<16xi32>
        tpu.vector_store_idx %arg6[%sub3A_147], %broadcast_in_dim3A_5 masked %lt3A_149 {add = true} : memref<78208xf32, #tpu.memory_space<vmem>>[vector<16xi32>], vector<16xf32>, vector<16xi1>
        %add3A_150 = arith.constant 128 : i32
        %add3A_151 = arith.addi %mul3A_88, %add3A_150 : i32
        %get3A_152 = arith.index_cast %add3A_151 : i32 to index
        %get3A_153 = tpu.vector_load %arg7[%get3A_152] {strides = array<i32>} : memref<20000xi32, #tpu.memory_space<vmem>>, vector<16xi32>,
        %sub3A_154 = vector.broadcast %mul3A_2 : i32 to vector<16xi32>
        %sub3A_155 = arith.subi %get3A_153, %sub3A_154 : vector<16xi32>
        %bitcast3A_156 = vector.bitcast %sub3A_155 : vector<16xi32> to vector<16xi32>
        %lt3A_157 = arith.cmpi ult, %bitcast3A_156, %broadcast_in_dim3A_3 : vector<16xi32>
        tpu.vector_store_idx %arg6[%sub3A_155], %broadcast_in_dim3A_5 masked %lt3A_157 {add = true} : memref<78208xf32, #tpu.memory_space<vmem>>[vector<16xi32>], vector<16xf32>, vector<16xi1>
        %add3A_158 = arith.constant 144 : i32
        %add3A_159 = arith.addi %mul3A_88, %add3A_158 : i32
        %get3A_160 = arith.index_cast %add3A_159 : i32 to index
        %get3A_161 = tpu.vector_load %arg7[%get3A_160] {strides = array<i32>} : memref<20000xi32, #tpu.memory_space<vmem>>, vector<16xi32>,
        %sub3A_162 = vector.broadcast %mul3A_2 : i32 to vector<16xi32>
        %sub3A_163 = arith.subi %get3A_161, %sub3A_162 : vector<16xi32>
        %bitcast3A_164 = vector.bitcast %sub3A_163 : vector<16xi32> to vector<16xi32>
        %lt3A_165 = arith.cmpi ult, %bitcast3A_164, %broadcast_in_dim3A_3 : vector<16xi32>
        tpu.vector_store_idx %arg6[%sub3A_163], %broadcast_in_dim3A_5 masked %lt3A_165 {add = true} : memref<78208xf32, #tpu.memory_space<vmem>>[vector<16xi32>], vector<16xf32>, vector<16xi1>
        %scan3A_166 = arith.constant 0 : i32
        scf.yield %scan3A_166 : i32
      }
      %scan3A_61 = arith.constant 125 : i32
      %mul3A_62 = arith.constant 2 : i32
      %mul3A_63 = arith.muli %scan3A_42, %mul3A_62 : i32
      %add3A_64 = arith.constant 1 : i32
      %add3A_65 = arith.addi %mul3A_63, %add3A_64 : i32
      %add3A_66 = arith.constant 1 : i32
      %add3A_67 = arith.addi %add3A_65, %add3A_66 : i32
      %lt3A_68 = arith.constant 16 : i32
      %lt3A_69 = arith.cmpi slt, %add3A_67, %lt3A_68 : i32
      %convert_element_type3A_70 = arith.extui %lt3A_69 : i1 to i32
      %cond3A_71 = arith.constant 0 : i32
      %cond3A_72 = arith.cmpi ne, %convert_element_type3A_70, %cond3A_71 : i32
      scf.if %cond3A_72 {
        %add3A_85 = arith.constant 1 : i32
        %add3A_86 = arith.addi %add3A_65, %add3A_85 : i32
        %mul3A_87 = arith.constant 20000 : i32
        %mul3A_88 = arith.muli %add3A_86, %mul3A_87 : i32
        %dma_start3A_89 = tpu.memref_slice %arg2[%mul3A_88] : memref<320000xi32, #tpu.memory_space<hbm>> -> memref<20000xi32, #tpu.memory_space<hbm>>
        %dma_start3A_90 = tpu.memref_slice %arg2[%mul3A_88] : memref<320000xi32, #tpu.memory_space<hbm>> -> memref<20000xi32, #tpu.memory_space<hbm>>
        tpu.enqueue_dma source(%dma_start3A_90 : memref<20000xi32, #tpu.memory_space<hbm>>) target(%arg7 : memref<20000xi32, #tpu.memory_space<vmem>>) target_semaphore(%arg9 : memref<!tpu.dma_semaphore, #tpu.memory_space<semaphore_mem>>)
      } else {
      }
      %mul3A_73 = arith.constant 20000 : i32
      %mul3A_74 = arith.muli %add3A_65, %mul3A_73 : i32
      %dma_wait3A_75 = tpu.memref_slice %arg2[%mul3A_74] : memref<320000xi32, #tpu.memory_space<hbm>> -> memref<20000xi32, #tpu.memory_space<hbm>>
      %dma_wait3A_76 = tpu.memref_slice %arg2[%mul3A_74] : memref<320000xi32, #tpu.memory_space<hbm>> -> memref<20000xi32, #tpu.memory_space<hbm>>
      tpu.wait_dma2 semaphore(%arg10 : memref<!tpu.dma_semaphore, #tpu.memory_space<semaphore_mem>>) src(%dma_wait3A_76 : memref<20000xi32, #tpu.memory_space<hbm>>) dst(%arg8 : memref<20000xi32, #tpu.memory_space<vmem>>)
      %scan3A_77 = arith.constant 0 : i32
      %scan3A_78 = arith.constant 0 : i32
      %scan3A_79 = arith.constant 125 : i32
      %scan3A_80 = arith.addi %scan3A_78, %scan3A_79 : i32
      %scan3A_81 = arith.constant 1 : i32
      %scan3A_82 = scf.for %scan3A_85 = %scan3A_78 to %scan3A_80 step %scan3A_81 iter_args(%scan3A_86 = %scan3A_77) -> (i32)  : i32 {
        %mul3A_87 = arith.constant 160 : i32
        %mul3A_88 = arith.muli %scan3A_85, %mul3A_87 : i32
        %add3A_89 = arith.constant 0 : i32
        %add3A_90 = arith.addi %mul3A_88, %add3A_89 : i32
        %get3A = arith.index_cast %add3A_90 : i32 to index
        %get3A_91 = tpu.vector_load %arg8[%get3A] {strides = array<i32>} : memref<20000xi32, #tpu.memory_space<vmem>>, vector<16xi32>,
        %sub3A = vector.broadcast %mul3A_2 : i32 to vector<16xi32>
        %sub3A_92 = arith.subi %get3A_91, %sub3A : vector<16xi32>
        %bitcast3A = vector.bitcast %sub3A_92 : vector<16xi32> to vector<16xi32>
        %lt3A_93 = arith.cmpi ult, %bitcast3A, %broadcast_in_dim3A_3 : vector<16xi32>
        tpu.vector_store_idx %arg6[%sub3A_92], %broadcast_in_dim3A_5 masked %lt3A_93 {add = true} : memref<78208xf32, #tpu.memory_space<vmem>>[vector<16xi32>], vector<16xf32>, vector<16xi1>
        %add3A_94 = arith.constant 16 : i32
        %add3A_95 = arith.addi %mul3A_88, %add3A_94 : i32
        %get3A_96 = arith.index_cast %add3A_95 : i32 to index
        %get3A_97 = tpu.vector_load %arg8[%get3A_96] {strides = array<i32>} : memref<20000xi32, #tpu.memory_space<vmem>>, vector<16xi32>,
        %sub3A_98 = vector.broadcast %mul3A_2 : i32 to vector<16xi32>
        %sub3A_99 = arith.subi %get3A_97, %sub3A_98 : vector<16xi32>
        %bitcast3A_100 = vector.bitcast %sub3A_99 : vector<16xi32> to vector<16xi32>
        %lt3A_101 = arith.cmpi ult, %bitcast3A_100, %broadcast_in_dim3A_3 : vector<16xi32>
        tpu.vector_store_idx %arg6[%sub3A_99], %broadcast_in_dim3A_5 masked %lt3A_101 {add = true} : memref<78208xf32, #tpu.memory_space<vmem>>[vector<16xi32>], vector<16xf32>, vector<16xi1>
        %add3A_102 = arith.constant 32 : i32
        %add3A_103 = arith.addi %mul3A_88, %add3A_102 : i32
        %get3A_104 = arith.index_cast %add3A_103 : i32 to index
        %get3A_105 = tpu.vector_load %arg8[%get3A_104] {strides = array<i32>} : memref<20000xi32, #tpu.memory_space<vmem>>, vector<16xi32>,
        %sub3A_106 = vector.broadcast %mul3A_2 : i32 to vector<16xi32>
        %sub3A_107 = arith.subi %get3A_105, %sub3A_106 : vector<16xi32>
        %bitcast3A_108 = vector.bitcast %sub3A_107 : vector<16xi32> to vector<16xi32>
        %lt3A_109 = arith.cmpi ult, %bitcast3A_108, %broadcast_in_dim3A_3 : vector<16xi32>
        tpu.vector_store_idx %arg6[%sub3A_107], %broadcast_in_dim3A_5 masked %lt3A_109 {add = true} : memref<78208xf32, #tpu.memory_space<vmem>>[vector<16xi32>], vector<16xf32>, vector<16xi1>
        %add3A_110 = arith.constant 48 : i32
        %add3A_111 = arith.addi %mul3A_88, %add3A_110 : i32
        %get3A_112 = arith.index_cast %add3A_111 : i32 to index
        %get3A_113 = tpu.vector_load %arg8[%get3A_112] {strides = array<i32>} : memref<20000xi32, #tpu.memory_space<vmem>>, vector<16xi32>,
        %sub3A_114 = vector.broadcast %mul3A_2 : i32 to vector<16xi32>
        %sub3A_115 = arith.subi %get3A_113, %sub3A_114 : vector<16xi32>
        %bitcast3A_116 = vector.bitcast %sub3A_115 : vector<16xi32> to vector<16xi32>
        %lt3A_117 = arith.cmpi ult, %bitcast3A_116, %broadcast_in_dim3A_3 : vector<16xi32>
        tpu.vector_store_idx %arg6[%sub3A_115], %broadcast_in_dim3A_5 masked %lt3A_117 {add = true} : memref<78208xf32, #tpu.memory_space<vmem>>[vector<16xi32>], vector<16xf32>, vector<16xi1>
        %add3A_118 = arith.constant 64 : i32
        %add3A_119 = arith.addi %mul3A_88, %add3A_118 : i32
        %get3A_120 = arith.index_cast %add3A_119 : i32 to index
        %get3A_121 = tpu.vector_load %arg8[%get3A_120] {strides = array<i32>} : memref<20000xi32, #tpu.memory_space<vmem>>, vector<16xi32>,
        %sub3A_122 = vector.broadcast %mul3A_2 : i32 to vector<16xi32>
        %sub3A_123 = arith.subi %get3A_121, %sub3A_122 : vector<16xi32>
        %bitcast3A_124 = vector.bitcast %sub3A_123 : vector<16xi32> to vector<16xi32>
        %lt3A_125 = arith.cmpi ult, %bitcast3A_124, %broadcast_in_dim3A_3 : vector<16xi32>
        tpu.vector_store_idx %arg6[%sub3A_123], %broadcast_in_dim3A_5 masked %lt3A_125 {add = true} : memref<78208xf32, #tpu.memory_space<vmem>>[vector<16xi32>], vector<16xf32>, vector<16xi1>
        %add3A_126 = arith.constant 80 : i32
        %add3A_127 = arith.addi %mul3A_88, %add3A_126 : i32
        %get3A_128 = arith.index_cast %add3A_127 : i32 to index
        %get3A_129 = tpu.vector_load %arg8[%get3A_128] {strides = array<i32>} : memref<20000xi32, #tpu.memory_space<vmem>>, vector<16xi32>,
        %sub3A_130 = vector.broadcast %mul3A_2 : i32 to vector<16xi32>
        %sub3A_131 = arith.subi %get3A_129, %sub3A_130 : vector<16xi32>
        %bitcast3A_132 = vector.bitcast %sub3A_131 : vector<16xi32> to vector<16xi32>
        %lt3A_133 = arith.cmpi ult, %bitcast3A_132, %broadcast_in_dim3A_3 : vector<16xi32>
        tpu.vector_store_idx %arg6[%sub3A_131], %broadcast_in_dim3A_5 masked %lt3A_133 {add = true} : memref<78208xf32, #tpu.memory_space<vmem>>[vector<16xi32>], vector<16xf32>, vector<16xi1>
        %add3A_134 = arith.constant 96 : i32
        %add3A_135 = arith.addi %mul3A_88, %add3A_134 : i32
        %get3A_136 = arith.index_cast %add3A_135 : i32 to index
        %get3A_137 = tpu.vector_load %arg8[%get3A_136] {strides = array<i32>} : memref<20000xi32, #tpu.memory_space<vmem>>, vector<16xi32>,
        %sub3A_138 = vector.broadcast %mul3A_2 : i32 to vector<16xi32>
        %sub3A_139 = arith.subi %get3A_137, %sub3A_138 : vector<16xi32>
        %bitcast3A_140 = vector.bitcast %sub3A_139 : vector<16xi32> to vector<16xi32>
        %lt3A_141 = arith.cmpi ult, %bitcast3A_140, %broadcast_in_dim3A_3 : vector<16xi32>
        tpu.vector_store_idx %arg6[%sub3A_139], %broadcast_in_dim3A_5 masked %lt3A_141 {add = true} : memref<78208xf32, #tpu.memory_space<vmem>>[vector<16xi32>], vector<16xf32>, vector<16xi1>
        %add3A_142 = arith.constant 112 : i32
        %add3A_143 = arith.addi %mul3A_88, %add3A_142 : i32
        %get3A_144 = arith.index_cast %add3A_143 : i32 to index
        %get3A_145 = tpu.vector_load %arg8[%get3A_144] {strides = array<i32>} : memref<20000xi32, #tpu.memory_space<vmem>>, vector<16xi32>,
        %sub3A_146 = vector.broadcast %mul3A_2 : i32 to vector<16xi32>
        %sub3A_147 = arith.subi %get3A_145, %sub3A_146 : vector<16xi32>
        %bitcast3A_148 = vector.bitcast %sub3A_147 : vector<16xi32> to vector<16xi32>
        %lt3A_149 = arith.cmpi ult, %bitcast3A_148, %broadcast_in_dim3A_3 : vector<16xi32>
        tpu.vector_store_idx %arg6[%sub3A_147], %broadcast_in_dim3A_5 masked %lt3A_149 {add = true} : memref<78208xf32, #tpu.memory_space<vmem>>[vector<16xi32>], vector<16xf32>, vector<16xi1>
        %add3A_150 = arith.constant 128 : i32
        %add3A_151 = arith.addi %mul3A_88, %add3A_150 : i32
        %get3A_152 = arith.index_cast %add3A_151 : i32 to index
        %get3A_153 = tpu.vector_load %arg8[%get3A_152] {strides = array<i32>} : memref<20000xi32, #tpu.memory_space<vmem>>, vector<16xi32>,
        %sub3A_154 = vector.broadcast %mul3A_2 : i32 to vector<16xi32>
        %sub3A_155 = arith.subi %get3A_153, %sub3A_154 : vector<16xi32>
        %bitcast3A_156 = vector.bitcast %sub3A_155 : vector<16xi32> to vector<16xi32>
        %lt3A_157 = arith.cmpi ult, %bitcast3A_156, %broadcast_in_dim3A_3 : vector<16xi32>
        tpu.vector_store_idx %arg6[%sub3A_155], %broadcast_in_dim3A_5 masked %lt3A_157 {add = true} : memref<78208xf32, #tpu.memory_space<vmem>>[vector<16xi32>], vector<16xf32>, vector<16xi1>
        %add3A_158 = arith.constant 144 : i32
        %add3A_159 = arith.addi %mul3A_88, %add3A_158 : i32
        %get3A_160 = arith.index_cast %add3A_159 : i32 to index
        %get3A_161 = tpu.vector_load %arg8[%get3A_160] {strides = array<i32>} : memref<20000xi32, #tpu.memory_space<vmem>>, vector<16xi32>,
        %sub3A_162 = vector.broadcast %mul3A_2 : i32 to vector<16xi32>
        %sub3A_163 = arith.subi %get3A_161, %sub3A_162 : vector<16xi32>
        %bitcast3A_164 = vector.bitcast %sub3A_163 : vector<16xi32> to vector<16xi32>
        %lt3A_165 = arith.cmpi ult, %bitcast3A_164, %broadcast_in_dim3A_3 : vector<16xi32>
        tpu.vector_store_idx %arg6[%sub3A_163], %broadcast_in_dim3A_5 masked %lt3A_165 {add = true} : memref<78208xf32, #tpu.memory_space<vmem>>[vector<16xi32>], vector<16xf32>, vector<16xi1>
        %scan3A_166 = arith.constant 0 : i32
        scf.yield %scan3A_166 : i32
      }
      %scan3A_83 = arith.constant 125 : i32
      %scan3A_84 = arith.constant 0 : i32
      scf.yield %scan3A_84 : i32
    }
    %scan3A_23 = arith.constant 8 : i32
    "tpu.region"() ({
      %run_scoped3A = tpu.sem_alloc : memref<!tpu.dma_semaphore, #tpu.memory_space<semaphore_mem>>
      %dma_start3A_42 = tpu.memref_slice %arg4[%mul3A_2] : memref<2502656xf32, #tpu.memory_space<hbm>> -> memref<78208xf32, #tpu.memory_space<hbm>>
      %dma_start3A_43 = tpu.memref_slice %arg4[%mul3A_2] : memref<2502656xf32, #tpu.memory_space<hbm>> -> memref<78208xf32, #tpu.memory_space<hbm>>
      tpu.enqueue_dma source(%arg6 : memref<78208xf32, #tpu.memory_space<vmem>>) target(%dma_start3A_43 : memref<78208xf32, #tpu.memory_space<hbm>>) target_semaphore(%run_scoped3A : memref<!tpu.dma_semaphore, #tpu.memory_space<semaphore_mem>>)
      %dma_wait3A = tpu.memref_slice %arg4[%mul3A_2] : memref<2502656xf32, #tpu.memory_space<hbm>> -> memref<78208xf32, #tpu.memory_space<hbm>>
      %dma_wait3A_44 = tpu.memref_slice %arg4[%mul3A_2] : memref<2502656xf32, #tpu.memory_space<hbm>> -> memref<78208xf32, #tpu.memory_space<hbm>>
      tpu.wait_dma2 semaphore(%run_scoped3A : memref<!tpu.dma_semaphore, #tpu.memory_space<semaphore_mem>>) src(%arg6 : memref<78208xf32, #tpu.memory_space<vmem>>) dst(%dma_wait3A_44 : memref<78208xf32, #tpu.memory_space<hbm>>)
      tpu.yield
    }) : () -> ()
    %scan3A_24 = arith.constant 0 : i32
    %scan3A_25 = arith.constant 0 : i32
    %scan3A_26 = arith.constant 611 : i32
    %scan3A_27 = arith.addi %scan3A_25, %scan3A_26 : i32
    %scan3A_28 = arith.constant 1 : i32
    %scan3A_29 = scf.for %scan3A_42 = %scan3A_25 to %scan3A_27 step %scan3A_28 iter_args(%scan3A_43 = %scan3A_24) -> (i32)  : i32 {
      %mul3A_44 = arith.constant 128 : i32
      %mul3A_45 = arith.muli %scan3A_42, %mul3A_44 : i32
      %add3A_46 = arith.constant 0 : i32
      %add3A_47 = arith.addi %mul3A_45, %add3A_46 : i32
      %swap3A = arith.index_cast %add3A_47 : i32 to index
      %swap3A_48 = tpu.vector_load %arg6[%swap3A] {strides = array<i32>} : memref<78208xf32, #tpu.memory_space<vmem>>, vector<16xf32>,
      tpu.vector_store %arg6[%swap3A], %broadcast_in_dim3A_7 {strides = array<i32>} : memref<78208xf32, #tpu.memory_space<vmem>>, vector<16xf32>,
      %mul3A_49 = arith.constant 128 : i32
      %mul3A_50 = arith.muli %scan3A_42, %mul3A_49 : i32
      %add3A_51 = arith.constant 16 : i32
      %add3A_52 = arith.addi %mul3A_50, %add3A_51 : i32
      %swap3A_53 = arith.index_cast %add3A_52 : i32 to index
      %swap3A_54 = tpu.vector_load %arg6[%swap3A_53] {strides = array<i32>} : memref<78208xf32, #tpu.memory_space<vmem>>, vector<16xf32>,
      tpu.vector_store %arg6[%swap3A_53], %broadcast_in_dim3A_7 {strides = array<i32>} : memref<78208xf32, #tpu.memory_space<vmem>>, vector<16xf32>,
      %mul3A_55 = arith.constant 128 : i32
      %mul3A_56 = arith.muli %scan3A_42, %mul3A_55 : i32
      %add3A_57 = arith.constant 32 : i32
      %add3A_58 = arith.addi %mul3A_56, %add3A_57 : i32
      %swap3A_59 = arith.index_cast %add3A_58 : i32 to index
      %swap3A_60 = tpu.vector_load %arg6[%swap3A_59] {strides = array<i32>} : memref<78208xf32, #tpu.memory_space<vmem>>, vector<16xf32>,
      tpu.vector_store %arg6[%swap3A_59], %broadcast_in_dim3A_7 {strides = array<i32>} : memref<78208xf32, #tpu.memory_space<vmem>>, vector<16xf32>,
      %mul3A_61 = arith.constant 128 : i32
      %mul3A_62 = arith.muli %scan3A_42, %mul3A_61 : i32
      %add3A_63 = arith.constant 48 : i32
      %add3A_64 = arith.addi %mul3A_62, %add3A_63 : i32
      %swap3A_65 = arith.index_cast %add3A_64 : i32 to index
      %swap3A_66 = tpu.vector_load %arg6[%swap3A_65] {strides = array<i32>} : memref<78208xf32, #tpu.memory_space<vmem>>, vector<16xf32>,
      tpu.vector_store %arg6[%swap3A_65], %broadcast_in_dim3A_7 {strides = array<i32>} : memref<78208xf32, #tpu.memory_space<vmem>>, vector<16xf32>,
      %mul3A_67 = arith.constant 128 : i32
      %mul3A_68 = arith.muli %scan3A_42, %mul3A_67 : i32
      %add3A_69 = arith.constant 64 : i32
      %add3A_70 = arith.addi %mul3A_68, %add3A_69 : i32
      %swap3A_71 = arith.index_cast %add3A_70 : i32 to index
      %swap3A_72 = tpu.vector_load %arg6[%swap3A_71] {strides = array<i32>} : memref<78208xf32, #tpu.memory_space<vmem>>, vector<16xf32>,
      tpu.vector_store %arg6[%swap3A_71], %broadcast_in_dim3A_7 {strides = array<i32>} : memref<78208xf32, #tpu.memory_space<vmem>>, vector<16xf32>,
      %mul3A_73 = arith.constant 128 : i32
      %mul3A_74 = arith.muli %scan3A_42, %mul3A_73 : i32
      %add3A_75 = arith.constant 80 : i32
      %add3A_76 = arith.addi %mul3A_74, %add3A_75 : i32
      %swap3A_77 = arith.index_cast %add3A_76 : i32 to index
      %swap3A_78 = tpu.vector_load %arg6[%swap3A_77] {strides = array<i32>} : memref<78208xf32, #tpu.memory_space<vmem>>, vector<16xf32>,
      tpu.vector_store %arg6[%swap3A_77], %broadcast_in_dim3A_7 {strides = array<i32>} : memref<78208xf32, #tpu.memory_space<vmem>>, vector<16xf32>,
      %mul3A_79 = arith.constant 128 : i32
      %mul3A_80 = arith.muli %scan3A_42, %mul3A_79 : i32
      %add3A_81 = arith.constant 96 : i32
      %add3A_82 = arith.addi %mul3A_80, %add3A_81 : i32
      %swap3A_83 = arith.index_cast %add3A_82 : i32 to index
      %swap3A_84 = tpu.vector_load %arg6[%swap3A_83] {strides = array<i32>} : memref<78208xf32, #tpu.memory_space<vmem>>, vector<16xf32>,
      tpu.vector_store %arg6[%swap3A_83], %broadcast_in_dim3A_7 {strides = array<i32>} : memref<78208xf32, #tpu.memory_space<vmem>>, vector<16xf32>,
      %mul3A_85 = arith.constant 128 : i32
      %mul3A_86 = arith.muli %scan3A_42, %mul3A_85 : i32
      %add3A_87 = arith.constant 112 : i32
      %add3A_88 = arith.addi %mul3A_86, %add3A_87 : i32
      %swap3A_89 = arith.index_cast %add3A_88 : i32 to index
      %swap3A_90 = tpu.vector_load %arg6[%swap3A_89] {strides = array<i32>} : memref<78208xf32, #tpu.memory_space<vmem>>, vector<16xf32>,
      tpu.vector_store %arg6[%swap3A_89], %broadcast_in_dim3A_7 {strides = array<i32>} : memref<78208xf32, #tpu.memory_space<vmem>>, vector<16xf32>,
      %scan3A_91 = arith.constant 0 : i32
      scf.yield %scan3A_91 : i32
    }
    %scan3A_30 = arith.constant 611 : i32
    %dma_start3A_31 = arith.constant 0 : i32
    %dma_start3A_32 = tpu.memref_slice %arg3[%dma_start3A_31] : memref<320000xi32, #tpu.memory_space<hbm>> -> memref<20000xi32, #tpu.memory_space<hbm>>
    %dma_start3A_33 = arith.constant 0 : i32
    %dma_start3A_34 = tpu.memref_slice %arg3[%dma_start3A_33] : memref<320000xi32, #tpu.memory_space<hbm>> -> memref<20000xi32, #tpu.memory_space<hbm>>
    tpu.enqueue_dma source(%dma_start3A_34 : memref<20000xi32, #tpu.memory_space<hbm>>) target(%arg7 : memref<20000xi32, #tpu.memory_space<vmem>>) target_semaphore(%arg9 : memref<!tpu.dma_semaphore, #tpu.memory_space<semaphore_mem>>)
    %scan3A_35 = arith.constant 0 : i32
    %scan3A_36 = arith.constant 0 : i32
    %scan3A_37 = arith.constant 8 : i32
    %scan3A_38 = arith.addi %scan3A_36, %scan3A_37 : i32
    %scan3A_39 = arith.constant 1 : i32
    %scan3A_40 = scf.for %scan3A_42 = %scan3A_36 to %scan3A_38 step %scan3A_39 iter_args(%scan3A_43 = %scan3A_35) -> (i32)  : i32 {
      %mul3A_44 = arith.constant 2 : i32
      %mul3A_45 = arith.muli %scan3A_42, %mul3A_44 : i32
      %add3A_46 = arith.constant 0 : i32
      %add3A_47 = arith.addi %mul3A_45, %add3A_46 : i32
      %add3A_48 = arith.constant 1 : i32
      %add3A_49 = arith.addi %add3A_47, %add3A_48 : i32
      %lt3A = arith.constant 16 : i32
      %lt3A_50 = arith.cmpi slt, %add3A_49, %lt3A : i32
      %convert_element_type3A = arith.extui %lt3A_50 : i1 to i32
      %cond3A = arith.constant 0 : i32
      %cond3A_51 = arith.cmpi ne, %convert_element_type3A, %cond3A : i32
      scf.if %cond3A_51 {
        %add3A_85 = arith.constant 1 : i32
        %add3A_86 = arith.addi %add3A_47, %add3A_85 : i32
        %mul3A_87 = arith.constant 20000 : i32
        %mul3A_88 = arith.muli %add3A_86, %mul3A_87 : i32
        %dma_start3A_89 = tpu.memref_slice %arg3[%mul3A_88] : memref<320000xi32, #tpu.memory_space<hbm>> -> memref<20000xi32, #tpu.memory_space<hbm>>
        %dma_start3A_90 = tpu.memref_slice %arg3[%mul3A_88] : memref<320000xi32, #tpu.memory_space<hbm>> -> memref<20000xi32, #tpu.memory_space<hbm>>
        tpu.enqueue_dma source(%dma_start3A_90 : memref<20000xi32, #tpu.memory_space<hbm>>) target(%arg8 : memref<20000xi32, #tpu.memory_space<vmem>>) target_semaphore(%arg10 : memref<!tpu.dma_semaphore, #tpu.memory_space<semaphore_mem>>)
      } else {
      }
      %mul3A_52 = arith.constant 20000 : i32
      %mul3A_53 = arith.muli %add3A_47, %mul3A_52 : i32
      %dma_wait3A = tpu.memref_slice %arg3[%mul3A_53] : memref<320000xi32, #tpu.memory_space<hbm>> -> memref<20000xi32, #tpu.memory_space<hbm>>
      %dma_wait3A_54 = tpu.memref_slice %arg3[%mul3A_53] : memref<320000xi32, #tpu.memory_space<hbm>> -> memref<20000xi32, #tpu.memory_space<hbm>>
      tpu.wait_dma2 semaphore(%arg9 : memref<!tpu.dma_semaphore, #tpu.memory_space<semaphore_mem>>) src(%dma_wait3A_54 : memref<20000xi32, #tpu.memory_space<hbm>>) dst(%arg7 : memref<20000xi32, #tpu.memory_space<vmem>>)
      %scan3A_55 = arith.constant 0 : i32
      %scan3A_56 = arith.constant 0 : i32
      %scan3A_57 = arith.constant 125 : i32
      %scan3A_58 = arith.addi %scan3A_56, %scan3A_57 : i32
      %scan3A_59 = arith.constant 1 : i32
      %scan3A_60 = scf.for %scan3A_85 = %scan3A_56 to %scan3A_58 step %scan3A_59 iter_args(%scan3A_86 = %scan3A_55) -> (i32)  : i32 {
        %mul3A_87 = arith.constant 160 : i32
        %mul3A_88 = arith.muli %scan3A_85, %mul3A_87 : i32
        %add3A_89 = arith.constant 0 : i32
        %add3A_90 = arith.addi %mul3A_88, %add3A_89 : i32
        %get3A = arith.index_cast %add3A_90 : i32 to index
        %get3A_91 = tpu.vector_load %arg7[%get3A] {strides = array<i32>} : memref<20000xi32, #tpu.memory_space<vmem>>, vector<16xi32>,
        %sub3A = vector.broadcast %mul3A_2 : i32 to vector<16xi32>
        %sub3A_92 = arith.subi %get3A_91, %sub3A : vector<16xi32>
        %bitcast3A = vector.bitcast %sub3A_92 : vector<16xi32> to vector<16xi32>
        %lt3A_93 = arith.cmpi ult, %bitcast3A, %broadcast_in_dim3A_3 : vector<16xi32>
        tpu.vector_store_idx %arg6[%sub3A_92], %broadcast_in_dim3A_5 masked %lt3A_93 {add = true} : memref<78208xf32, #tpu.memory_space<vmem>>[vector<16xi32>], vector<16xf32>, vector<16xi1>
        %add3A_94 = arith.constant 16 : i32
        %add3A_95 = arith.addi %mul3A_88, %add3A_94 : i32
        %get3A_96 = arith.index_cast %add3A_95 : i32 to index
        %get3A_97 = tpu.vector_load %arg7[%get3A_96] {strides = array<i32>} : memref<20000xi32, #tpu.memory_space<vmem>>, vector<16xi32>,
        %sub3A_98 = vector.broadcast %mul3A_2 : i32 to vector<16xi32>
        %sub3A_99 = arith.subi %get3A_97, %sub3A_98 : vector<16xi32>
        %bitcast3A_100 = vector.bitcast %sub3A_99 : vector<16xi32> to vector<16xi32>
        %lt3A_101 = arith.cmpi ult, %bitcast3A_100, %broadcast_in_dim3A_3 : vector<16xi32>
        tpu.vector_store_idx %arg6[%sub3A_99], %broadcast_in_dim3A_5 masked %lt3A_101 {add = true} : memref<78208xf32, #tpu.memory_space<vmem>>[vector<16xi32>], vector<16xf32>, vector<16xi1>
        %add3A_102 = arith.constant 32 : i32
        %add3A_103 = arith.addi %mul3A_88, %add3A_102 : i32
        %get3A_104 = arith.index_cast %add3A_103 : i32 to index
        %get3A_105 = tpu.vector_load %arg7[%get3A_104] {strides = array<i32>} : memref<20000xi32, #tpu.memory_space<vmem>>, vector<16xi32>,
        %sub3A_106 = vector.broadcast %mul3A_2 : i32 to vector<16xi32>
        %sub3A_107 = arith.subi %get3A_105, %sub3A_106 : vector<16xi32>
        %bitcast3A_108 = vector.bitcast %sub3A_107 : vector<16xi32> to vector<16xi32>
        %lt3A_109 = arith.cmpi ult, %bitcast3A_108, %broadcast_in_dim3A_3 : vector<16xi32>
        tpu.vector_store_idx %arg6[%sub3A_107], %broadcast_in_dim3A_5 masked %lt3A_109 {add = true} : memref<78208xf32, #tpu.memory_space<vmem>>[vector<16xi32>], vector<16xf32>, vector<16xi1>
        %add3A_110 = arith.constant 48 : i32
        %add3A_111 = arith.addi %mul3A_88, %add3A_110 : i32
        %get3A_112 = arith.index_cast %add3A_111 : i32 to index
        %get3A_113 = tpu.vector_load %arg7[%get3A_112] {strides = array<i32>} : memref<20000xi32, #tpu.memory_space<vmem>>, vector<16xi32>,
        %sub3A_114 = vector.broadcast %mul3A_2 : i32 to vector<16xi32>
        %sub3A_115 = arith.subi %get3A_113, %sub3A_114 : vector<16xi32>
        %bitcast3A_116 = vector.bitcast %sub3A_115 : vector<16xi32> to vector<16xi32>
        %lt3A_117 = arith.cmpi ult, %bitcast3A_116, %broadcast_in_dim3A_3 : vector<16xi32>
        tpu.vector_store_idx %arg6[%sub3A_115], %broadcast_in_dim3A_5 masked %lt3A_117 {add = true} : memref<78208xf32, #tpu.memory_space<vmem>>[vector<16xi32>], vector<16xf32>, vector<16xi1>
        %add3A_118 = arith.constant 64 : i32
        %add3A_119 = arith.addi %mul3A_88, %add3A_118 : i32
        %get3A_120 = arith.index_cast %add3A_119 : i32 to index
        %get3A_121 = tpu.vector_load %arg7[%get3A_120] {strides = array<i32>} : memref<20000xi32, #tpu.memory_space<vmem>>, vector<16xi32>,
        %sub3A_122 = vector.broadcast %mul3A_2 : i32 to vector<16xi32>
        %sub3A_123 = arith.subi %get3A_121, %sub3A_122 : vector<16xi32>
        %bitcast3A_124 = vector.bitcast %sub3A_123 : vector<16xi32> to vector<16xi32>
        %lt3A_125 = arith.cmpi ult, %bitcast3A_124, %broadcast_in_dim3A_3 : vector<16xi32>
        tpu.vector_store_idx %arg6[%sub3A_123], %broadcast_in_dim3A_5 masked %lt3A_125 {add = true} : memref<78208xf32, #tpu.memory_space<vmem>>[vector<16xi32>], vector<16xf32>, vector<16xi1>
        %add3A_126 = arith.constant 80 : i32
        %add3A_127 = arith.addi %mul3A_88, %add3A_126 : i32
        %get3A_128 = arith.index_cast %add3A_127 : i32 to index
        %get3A_129 = tpu.vector_load %arg7[%get3A_128] {strides = array<i32>} : memref<20000xi32, #tpu.memory_space<vmem>>, vector<16xi32>,
        %sub3A_130 = vector.broadcast %mul3A_2 : i32 to vector<16xi32>
        %sub3A_131 = arith.subi %get3A_129, %sub3A_130 : vector<16xi32>
        %bitcast3A_132 = vector.bitcast %sub3A_131 : vector<16xi32> to vector<16xi32>
        %lt3A_133 = arith.cmpi ult, %bitcast3A_132, %broadcast_in_dim3A_3 : vector<16xi32>
        tpu.vector_store_idx %arg6[%sub3A_131], %broadcast_in_dim3A_5 masked %lt3A_133 {add = true} : memref<78208xf32, #tpu.memory_space<vmem>>[vector<16xi32>], vector<16xf32>, vector<16xi1>
        %add3A_134 = arith.constant 96 : i32
        %add3A_135 = arith.addi %mul3A_88, %add3A_134 : i32
        %get3A_136 = arith.index_cast %add3A_135 : i32 to index
        %get3A_137 = tpu.vector_load %arg7[%get3A_136] {strides = array<i32>} : memref<20000xi32, #tpu.memory_space<vmem>>, vector<16xi32>,
        %sub3A_138 = vector.broadcast %mul3A_2 : i32 to vector<16xi32>
        %sub3A_139 = arith.subi %get3A_137, %sub3A_138 : vector<16xi32>
        %bitcast3A_140 = vector.bitcast %sub3A_139 : vector<16xi32> to vector<16xi32>
        %lt3A_141 = arith.cmpi ult, %bitcast3A_140, %broadcast_in_dim3A_3 : vector<16xi32>
        tpu.vector_store_idx %arg6[%sub3A_139], %broadcast_in_dim3A_5 masked %lt3A_141 {add = true} : memref<78208xf32, #tpu.memory_space<vmem>>[vector<16xi32>], vector<16xf32>, vector<16xi1>
        %add3A_142 = arith.constant 112 : i32
        %add3A_143 = arith.addi %mul3A_88, %add3A_142 : i32
        %get3A_144 = arith.index_cast %add3A_143 : i32 to index
        %get3A_145 = tpu.vector_load %arg7[%get3A_144] {strides = array<i32>} : memref<20000xi32, #tpu.memory_space<vmem>>, vector<16xi32>,
        %sub3A_146 = vector.broadcast %mul3A_2 : i32 to vector<16xi32>
        %sub3A_147 = arith.subi %get3A_145, %sub3A_146 : vector<16xi32>
        %bitcast3A_148 = vector.bitcast %sub3A_147 : vector<16xi32> to vector<16xi32>
        %lt3A_149 = arith.cmpi ult, %bitcast3A_148, %broadcast_in_dim3A_3 : vector<16xi32>
        tpu.vector_store_idx %arg6[%sub3A_147], %broadcast_in_dim3A_5 masked %lt3A_149 {add = true} : memref<78208xf32, #tpu.memory_space<vmem>>[vector<16xi32>], vector<16xf32>, vector<16xi1>
        %add3A_150 = arith.constant 128 : i32
        %add3A_151 = arith.addi %mul3A_88, %add3A_150 : i32
        %get3A_152 = arith.index_cast %add3A_151 : i32 to index
        %get3A_153 = tpu.vector_load %arg7[%get3A_152] {strides = array<i32>} : memref<20000xi32, #tpu.memory_space<vmem>>, vector<16xi32>,
        %sub3A_154 = vector.broadcast %mul3A_2 : i32 to vector<16xi32>
        %sub3A_155 = arith.subi %get3A_153, %sub3A_154 : vector<16xi32>
        %bitcast3A_156 = vector.bitcast %sub3A_155 : vector<16xi32> to vector<16xi32>
        %lt3A_157 = arith.cmpi ult, %bitcast3A_156, %broadcast_in_dim3A_3 : vector<16xi32>
        tpu.vector_store_idx %arg6[%sub3A_155], %broadcast_in_dim3A_5 masked %lt3A_157 {add = true} : memref<78208xf32, #tpu.memory_space<vmem>>[vector<16xi32>], vector<16xf32>, vector<16xi1>
        %add3A_158 = arith.constant 144 : i32
        %add3A_159 = arith.addi %mul3A_88, %add3A_158 : i32
        %get3A_160 = arith.index_cast %add3A_159 : i32 to index
        %get3A_161 = tpu.vector_load %arg7[%get3A_160] {strides = array<i32>} : memref<20000xi32, #tpu.memory_space<vmem>>, vector<16xi32>,
        %sub3A_162 = vector.broadcast %mul3A_2 : i32 to vector<16xi32>
        %sub3A_163 = arith.subi %get3A_161, %sub3A_162 : vector<16xi32>
        %bitcast3A_164 = vector.bitcast %sub3A_163 : vector<16xi32> to vector<16xi32>
        %lt3A_165 = arith.cmpi ult, %bitcast3A_164, %broadcast_in_dim3A_3 : vector<16xi32>
        tpu.vector_store_idx %arg6[%sub3A_163], %broadcast_in_dim3A_5 masked %lt3A_165 {add = true} : memref<78208xf32, #tpu.memory_space<vmem>>[vector<16xi32>], vector<16xf32>, vector<16xi1>
        %scan3A_166 = arith.constant 0 : i32
        scf.yield %scan3A_166 : i32
      }
      %scan3A_61 = arith.constant 125 : i32
      %mul3A_62 = arith.constant 2 : i32
      %mul3A_63 = arith.muli %scan3A_42, %mul3A_62 : i32
      %add3A_64 = arith.constant 1 : i32
      %add3A_65 = arith.addi %mul3A_63, %add3A_64 : i32
      %add3A_66 = arith.constant 1 : i32
      %add3A_67 = arith.addi %add3A_65, %add3A_66 : i32
      %lt3A_68 = arith.constant 16 : i32
      %lt3A_69 = arith.cmpi slt, %add3A_67, %lt3A_68 : i32
      %convert_element_type3A_70 = arith.extui %lt3A_69 : i1 to i32
      %cond3A_71 = arith.constant 0 : i32
      %cond3A_72 = arith.cmpi ne, %convert_element_type3A_70, %cond3A_71 : i32
      scf.if %cond3A_72 {
        %add3A_85 = arith.constant 1 : i32
        %add3A_86 = arith.addi %add3A_65, %add3A_85 : i32
        %mul3A_87 = arith.constant 20000 : i32
        %mul3A_88 = arith.muli %add3A_86, %mul3A_87 : i32
        %dma_start3A_89 = tpu.memref_slice %arg3[%mul3A_88] : memref<320000xi32, #tpu.memory_space<hbm>> -> memref<20000xi32, #tpu.memory_space<hbm>>
        %dma_start3A_90 = tpu.memref_slice %arg3[%mul3A_88] : memref<320000xi32, #tpu.memory_space<hbm>> -> memref<20000xi32, #tpu.memory_space<hbm>>
        tpu.enqueue_dma source(%dma_start3A_90 : memref<20000xi32, #tpu.memory_space<hbm>>) target(%arg7 : memref<20000xi32, #tpu.memory_space<vmem>>) target_semaphore(%arg9 : memref<!tpu.dma_semaphore, #tpu.memory_space<semaphore_mem>>)
      } else {
      }
      %mul3A_73 = arith.constant 20000 : i32
      %mul3A_74 = arith.muli %add3A_65, %mul3A_73 : i32
      %dma_wait3A_75 = tpu.memref_slice %arg3[%mul3A_74] : memref<320000xi32, #tpu.memory_space<hbm>> -> memref<20000xi32, #tpu.memory_space<hbm>>
      %dma_wait3A_76 = tpu.memref_slice %arg3[%mul3A_74] : memref<320000xi32, #tpu.memory_space<hbm>> -> memref<20000xi32, #tpu.memory_space<hbm>>
      tpu.wait_dma2 semaphore(%arg10 : memref<!tpu.dma_semaphore, #tpu.memory_space<semaphore_mem>>) src(%dma_wait3A_76 : memref<20000xi32, #tpu.memory_space<hbm>>) dst(%arg8 : memref<20000xi32, #tpu.memory_space<vmem>>)
      %scan3A_77 = arith.constant 0 : i32
      %scan3A_78 = arith.constant 0 : i32
      %scan3A_79 = arith.constant 125 : i32
      %scan3A_80 = arith.addi %scan3A_78, %scan3A_79 : i32
      %scan3A_81 = arith.constant 1 : i32
      %scan3A_82 = scf.for %scan3A_85 = %scan3A_78 to %scan3A_80 step %scan3A_81 iter_args(%scan3A_86 = %scan3A_77) -> (i32)  : i32 {
        %mul3A_87 = arith.constant 160 : i32
        %mul3A_88 = arith.muli %scan3A_85, %mul3A_87 : i32
        %add3A_89 = arith.constant 0 : i32
        %add3A_90 = arith.addi %mul3A_88, %add3A_89 : i32
        %get3A = arith.index_cast %add3A_90 : i32 to index
        %get3A_91 = tpu.vector_load %arg8[%get3A] {strides = array<i32>} : memref<20000xi32, #tpu.memory_space<vmem>>, vector<16xi32>,
        %sub3A = vector.broadcast %mul3A_2 : i32 to vector<16xi32>
        %sub3A_92 = arith.subi %get3A_91, %sub3A : vector<16xi32>
        %bitcast3A = vector.bitcast %sub3A_92 : vector<16xi32> to vector<16xi32>
        %lt3A_93 = arith.cmpi ult, %bitcast3A, %broadcast_in_dim3A_3 : vector<16xi32>
        tpu.vector_store_idx %arg6[%sub3A_92], %broadcast_in_dim3A_5 masked %lt3A_93 {add = true} : memref<78208xf32, #tpu.memory_space<vmem>>[vector<16xi32>], vector<16xf32>, vector<16xi1>
        %add3A_94 = arith.constant 16 : i32
        %add3A_95 = arith.addi %mul3A_88, %add3A_94 : i32
        %get3A_96 = arith.index_cast %add3A_95 : i32 to index
        %get3A_97 = tpu.vector_load %arg8[%get3A_96] {strides = array<i32>} : memref<20000xi32, #tpu.memory_space<vmem>>, vector<16xi32>,
        %sub3A_98 = vector.broadcast %mul3A_2 : i32 to vector<16xi32>
        %sub3A_99 = arith.subi %get3A_97, %sub3A_98 : vector<16xi32>
        %bitcast3A_100 = vector.bitcast %sub3A_99 : vector<16xi32> to vector<16xi32>
        %lt3A_101 = arith.cmpi ult, %bitcast3A_100, %broadcast_in_dim3A_3 : vector<16xi32>
        tpu.vector_store_idx %arg6[%sub3A_99], %broadcast_in_dim3A_5 masked %lt3A_101 {add = true} : memref<78208xf32, #tpu.memory_space<vmem>>[vector<16xi32>], vector<16xf32>, vector<16xi1>
        %add3A_102 = arith.constant 32 : i32
        %add3A_103 = arith.addi %mul3A_88, %add3A_102 : i32
        %get3A_104 = arith.index_cast %add3A_103 : i32 to index
        %get3A_105 = tpu.vector_load %arg8[%get3A_104] {strides = array<i32>} : memref<20000xi32, #tpu.memory_space<vmem>>, vector<16xi32>,
        %sub3A_106 = vector.broadcast %mul3A_2 : i32 to vector<16xi32>
        %sub3A_107 = arith.subi %get3A_105, %sub3A_106 : vector<16xi32>
        %bitcast3A_108 = vector.bitcast %sub3A_107 : vector<16xi32> to vector<16xi32>
        %lt3A_109 = arith.cmpi ult, %bitcast3A_108, %broadcast_in_dim3A_3 : vector<16xi32>
        tpu.vector_store_idx %arg6[%sub3A_107], %broadcast_in_dim3A_5 masked %lt3A_109 {add = true} : memref<78208xf32, #tpu.memory_space<vmem>>[vector<16xi32>], vector<16xf32>, vector<16xi1>
        %add3A_110 = arith.constant 48 : i32
        %add3A_111 = arith.addi %mul3A_88, %add3A_110 : i32
        %get3A_112 = arith.index_cast %add3A_111 : i32 to index
        %get3A_113 = tpu.vector_load %arg8[%get3A_112] {strides = array<i32>} : memref<20000xi32, #tpu.memory_space<vmem>>, vector<16xi32>,
        %sub3A_114 = vector.broadcast %mul3A_2 : i32 to vector<16xi32>
        %sub3A_115 = arith.subi %get3A_113, %sub3A_114 : vector<16xi32>
        %bitcast3A_116 = vector.bitcast %sub3A_115 : vector<16xi32> to vector<16xi32>
        %lt3A_117 = arith.cmpi ult, %bitcast3A_116, %broadcast_in_dim3A_3 : vector<16xi32>
        tpu.vector_store_idx %arg6[%sub3A_115], %broadcast_in_dim3A_5 masked %lt3A_117 {add = true} : memref<78208xf32, #tpu.memory_space<vmem>>[vector<16xi32>], vector<16xf32>, vector<16xi1>
        %add3A_118 = arith.constant 64 : i32
        %add3A_119 = arith.addi %mul3A_88, %add3A_118 : i32
        %get3A_120 = arith.index_cast %add3A_119 : i32 to index
        %get3A_121 = tpu.vector_load %arg8[%get3A_120] {strides = array<i32>} : memref<20000xi32, #tpu.memory_space<vmem>>, vector<16xi32>,
        %sub3A_122 = vector.broadcast %mul3A_2 : i32 to vector<16xi32>
        %sub3A_123 = arith.subi %get3A_121, %sub3A_122 : vector<16xi32>
        %bitcast3A_124 = vector.bitcast %sub3A_123 : vector<16xi32> to vector<16xi32>
        %lt3A_125 = arith.cmpi ult, %bitcast3A_124, %broadcast_in_dim3A_3 : vector<16xi32>
        tpu.vector_store_idx %arg6[%sub3A_123], %broadcast_in_dim3A_5 masked %lt3A_125 {add = true} : memref<78208xf32, #tpu.memory_space<vmem>>[vector<16xi32>], vector<16xf32>, vector<16xi1>
        %add3A_126 = arith.constant 80 : i32
        %add3A_127 = arith.addi %mul3A_88, %add3A_126 : i32
        %get3A_128 = arith.index_cast %add3A_127 : i32 to index
        %get3A_129 = tpu.vector_load %arg8[%get3A_128] {strides = array<i32>} : memref<20000xi32, #tpu.memory_space<vmem>>, vector<16xi32>,
        %sub3A_130 = vector.broadcast %mul3A_2 : i32 to vector<16xi32>
        %sub3A_131 = arith.subi %get3A_129, %sub3A_130 : vector<16xi32>
        %bitcast3A_132 = vector.bitcast %sub3A_131 : vector<16xi32> to vector<16xi32>
        %lt3A_133 = arith.cmpi ult, %bitcast3A_132, %broadcast_in_dim3A_3 : vector<16xi32>
        tpu.vector_store_idx %arg6[%sub3A_131], %broadcast_in_dim3A_5 masked %lt3A_133 {add = true} : memref<78208xf32, #tpu.memory_space<vmem>>[vector<16xi32>], vector<16xf32>, vector<16xi1>
        %add3A_134 = arith.constant 96 : i32
        %add3A_135 = arith.addi %mul3A_88, %add3A_134 : i32
        %get3A_136 = arith.index_cast %add3A_135 : i32 to index
        %get3A_137 = tpu.vector_load %arg8[%get3A_136] {strides = array<i32>} : memref<20000xi32, #tpu.memory_space<vmem>>, vector<16xi32>,
        %sub3A_138 = vector.broadcast %mul3A_2 : i32 to vector<16xi32>
        %sub3A_139 = arith.subi %get3A_137, %sub3A_138 : vector<16xi32>
        %bitcast3A_140 = vector.bitcast %sub3A_139 : vector<16xi32> to vector<16xi32>
        %lt3A_141 = arith.cmpi ult, %bitcast3A_140, %broadcast_in_dim3A_3 : vector<16xi32>
        tpu.vector_store_idx %arg6[%sub3A_139], %broadcast_in_dim3A_5 masked %lt3A_141 {add = true} : memref<78208xf32, #tpu.memory_space<vmem>>[vector<16xi32>], vector<16xf32>, vector<16xi1>
        %add3A_142 = arith.constant 112 : i32
        %add3A_143 = arith.addi %mul3A_88, %add3A_142 : i32
        %get3A_144 = arith.index_cast %add3A_143 : i32 to index
        %get3A_145 = tpu.vector_load %arg8[%get3A_144] {strides = array<i32>} : memref<20000xi32, #tpu.memory_space<vmem>>, vector<16xi32>,
        %sub3A_146 = vector.broadcast %mul3A_2 : i32 to vector<16xi32>
        %sub3A_147 = arith.subi %get3A_145, %sub3A_146 : vector<16xi32>
        %bitcast3A_148 = vector.bitcast %sub3A_147 : vector<16xi32> to vector<16xi32>
        %lt3A_149 = arith.cmpi ult, %bitcast3A_148, %broadcast_in_dim3A_3 : vector<16xi32>
        tpu.vector_store_idx %arg6[%sub3A_147], %broadcast_in_dim3A_5 masked %lt3A_149 {add = true} : memref<78208xf32, #tpu.memory_space<vmem>>[vector<16xi32>], vector<16xf32>, vector<16xi1>
        %add3A_150 = arith.constant 128 : i32
        %add3A_151 = arith.addi %mul3A_88, %add3A_150 : i32
        %get3A_152 = arith.index_cast %add3A_151 : i32 to index
        %get3A_153 = tpu.vector_load %arg8[%get3A_152] {strides = array<i32>} : memref<20000xi32, #tpu.memory_space<vmem>>, vector<16xi32>,
        %sub3A_154 = vector.broadcast %mul3A_2 : i32 to vector<16xi32>
        %sub3A_155 = arith.subi %get3A_153, %sub3A_154 : vector<16xi32>
        %bitcast3A_156 = vector.bitcast %sub3A_155 : vector<16xi32> to vector<16xi32>
        %lt3A_157 = arith.cmpi ult, %bitcast3A_156, %broadcast_in_dim3A_3 : vector<16xi32>
        tpu.vector_store_idx %arg6[%sub3A_155], %broadcast_in_dim3A_5 masked %lt3A_157 {add = true} : memref<78208xf32, #tpu.memory_space<vmem>>[vector<16xi32>], vector<16xf32>, vector<16xi1>
        %add3A_158 = arith.constant 144 : i32
        %add3A_159 = arith.addi %mul3A_88, %add3A_158 : i32
        %get3A_160 = arith.index_cast %add3A_159 : i32 to index
        %get3A_161 = tpu.vector_load %arg8[%get3A_160] {strides = array<i32>} : memref<20000xi32, #tpu.memory_space<vmem>>, vector<16xi32>,
        %sub3A_162 = vector.broadcast %mul3A_2 : i32 to vector<16xi32>
        %sub3A_163 = arith.subi %get3A_161, %sub3A_162 : vector<16xi32>
        %bitcast3A_164 = vector.bitcast %sub3A_163 : vector<16xi32> to vector<16xi32>
        %lt3A_165 = arith.cmpi ult, %bitcast3A_164, %broadcast_in_dim3A_3 : vector<16xi32>
        tpu.vector_store_idx %arg6[%sub3A_163], %broadcast_in_dim3A_5 masked %lt3A_165 {add = true} : memref<78208xf32, #tpu.memory_space<vmem>>[vector<16xi32>], vector<16xf32>, vector<16xi1>
        %scan3A_166 = arith.constant 0 : i32
        scf.yield %scan3A_166 : i32
      }
      %scan3A_83 = arith.constant 125 : i32
      %scan3A_84 = arith.constant 0 : i32
      scf.yield %scan3A_84 : i32
    }
    %scan3A_41 = arith.constant 8 : i32
    "tpu.region"() ({
      %run_scoped3A = tpu.sem_alloc : memref<!tpu.dma_semaphore, #tpu.memory_space<semaphore_mem>>
      %dma_start3A_42 = tpu.memref_slice %arg5[%mul3A_2] : memref<2502656xf32, #tpu.memory_space<hbm>> -> memref<78208xf32, #tpu.memory_space<hbm>>
      %dma_start3A_43 = tpu.memref_slice %arg5[%mul3A_2] : memref<2502656xf32, #tpu.memory_space<hbm>> -> memref<78208xf32, #tpu.memory_space<hbm>>
      tpu.enqueue_dma source(%arg6 : memref<78208xf32, #tpu.memory_space<vmem>>) target(%dma_start3A_43 : memref<78208xf32, #tpu.memory_space<hbm>>) target_semaphore(%run_scoped3A : memref<!tpu.dma_semaphore, #tpu.memory_space<semaphore_mem>>)
      %dma_wait3A = tpu.memref_slice %arg5[%mul3A_2] : memref<2502656xf32, #tpu.memory_space<hbm>> -> memref<78208xf32, #tpu.memory_space<hbm>>
      %dma_wait3A_44 = tpu.memref_slice %arg5[%mul3A_2] : memref<2502656xf32, #tpu.memory_space<hbm>> -> memref<78208xf32, #tpu.memory_space<hbm>>
      tpu.wait_dma2 semaphore(%run_scoped3A : memref<!tpu.dma_semaphore, #tpu.memory_space<semaphore_mem>>) src(%arg6 : memref<78208xf32, #tpu.memory_space<vmem>>) dst(%dma_wait3A_44 : memref<78208xf32, #tpu.memory_space<hbm>>)
      tpu.yield
    }) : () -> ()
    return
  }
}

module attributes {stable_mosaic.version = 14 : i64} {
  func.func @_keys_body(%arg0: memref<8x40000xi32, #tpu.memory_space<vmem>>, %arg1: memref<8x40000xi32, #tpu.memory_space<vmem>>, %arg2: memref<8x40000xi32, #tpu.memory_space<vmem>>, %arg3: memref<8x40000xi32, #tpu.memory_space<vmem>>, %arg4: memref<8x40000xi32, #tpu.memory_space<vmem>>, %arg5: memref<8x40000xi32, #tpu.memory_space<vmem>>) attributes {dimension_semantics = [], scalar_prefetch = 0 : i64, scratch_operands = 0 : i64, tpu.core_type = #tpu.core_type<tc>} {
    %get3A = arith.constant 0 : index
    %get3A_0 = arith.constant 0 : index
    %get3A_1 = vector.load %arg0[%get3A, %get3A_0] : memref<8x40000xi32, #tpu.memory_space<vmem>>, vector<8x40000xi32>
    %get3A_2 = arith.constant 0 : index
    %get3A_3 = arith.constant 0 : index
    %get3A_4 = vector.load %arg1[%get3A_2, %get3A_3] : memref<8x40000xi32, #tpu.memory_space<vmem>>, vector<8x40000xi32>
    %mul3A = arith.constant 250 : i32
    %mul3A_5 = vector.broadcast %mul3A : i32 to vector<8x40000xi32>
    %mul3A_6 = arith.muli %get3A_4, %mul3A_5 : vector<8x40000xi32>
    %rem3A = arith.constant 250 : i32
    %rem3A_7 = vector.broadcast %rem3A : i32 to vector<8x40000xi32>
    %rem3A_8 = arith.remsi %get3A_1, %rem3A_7 : vector<8x40000xi32>
    %add3A = arith.addi %mul3A_6, %rem3A_8 : vector<8x40000xi32>
    %swap3A = arith.constant 0 : index
    %swap3A_9 = arith.constant 0 : index
    %swap3A_10 = vector.load %arg4[%swap3A, %swap3A_9] : memref<8x40000xi32, #tpu.memory_space<vmem>>, vector<8x40000xi32>
    tpu.vector_store %arg4[%swap3A, %swap3A_9], %add3A {strides = array<i32>} : memref<8x40000xi32, #tpu.memory_space<vmem>>, vector<8x40000xi32>,
    %get3A_11 = arith.constant 0 : index
    %get3A_12 = arith.constant 0 : index
    %get3A_13 = vector.load %arg2[%get3A_11, %get3A_12] : memref<8x40000xi32, #tpu.memory_space<vmem>>, vector<8x40000xi32>
    %get3A_14 = arith.constant 0 : index
    %get3A_15 = arith.constant 0 : index
    %get3A_16 = vector.load %arg3[%get3A_14, %get3A_15] : memref<8x40000xi32, #tpu.memory_space<vmem>>, vector<8x40000xi32>
    %mul3A_17 = arith.constant 250 : i32
    %mul3A_18 = vector.broadcast %mul3A_17 : i32 to vector<8x40000xi32>
    %mul3A_19 = arith.muli %get3A_16, %mul3A_18 : vector<8x40000xi32>
    %rem3A_20 = arith.constant 250 : i32
    %rem3A_21 = vector.broadcast %rem3A_20 : i32 to vector<8x40000xi32>
    %rem3A_22 = arith.remsi %get3A_13, %rem3A_21 : vector<8x40000xi32>
    %add3A_23 = arith.addi %mul3A_19, %rem3A_22 : vector<8x40000xi32>
    %swap3A_24 = arith.constant 0 : index
    %swap3A_25 = arith.constant 0 : index
    %swap3A_26 = vector.load %arg5[%swap3A_24, %swap3A_25] : memref<8x40000xi32, #tpu.memory_space<vmem>>, vector<8x40000xi32>
    tpu.vector_store %arg5[%swap3A_24, %swap3A_25], %add3A_23 {strides = array<i32>} : memref<8x40000xi32, #tpu.memory_space<vmem>>, vector<8x40000xi32>,
    return
  }
}

module attributes {stable_mosaic.version = 14 : i64} {
  func.func @_gnn_pool_body(%arg0: i32, %arg1: memref<1x250x250xf32, #tpu.memory_space<vmem>>, %arg2: memref<1x250x128xf32, #tpu.memory_space<vmem>>, %arg3: memref<1x250x250xf32, #tpu.memory_space<vmem>>, %arg4: memref<1x250x128xf32, #tpu.memory_space<vmem>>, %arg5: memref<128x64xf32, #tpu.memory_space<vmem>>, %arg6: memref<1x64xf32, #tpu.memory_space<vmem>>, %arg7: memref<64x32xf32, #tpu.memory_space<vmem>>, %arg8: memref<1x32xf32, #tpu.memory_space<vmem>>, %arg9: memref<32x16xf32, #tpu.memory_space<vmem>>, %arg10: memref<1x16xf32, #tpu.memory_space<vmem>>, %arg11: memref<16x16xf32, #tpu.memory_space<vmem>>, %arg12: memref<1x1x16xf32, #tpu.memory_space<vmem>>, %arg13: memref<1x1x16xf32, #tpu.memory_space<vmem>>) attributes {dimension_semantics = [#tpu.dimension_semantics<arbitrary>], iteration_bounds = array<i64: 40>, scalar_prefetch = 0 : i64, scratch_operands = 0 : i64, tpu.core_type = #tpu.core_type<tc>, window_params = [{transform_indices = @transform_0, window_bounds = array<i64: 1, 250, 250>}, {transform_indices = @transform_1, window_bounds = array<i64: 1, 250, 128>}, {transform_indices = @transform_2, window_bounds = array<i64: 1, 250, 250>}, {transform_indices = @transform_3, window_bounds = array<i64: 1, 250, 128>}, {pipeline_mode = #tpu.pipeline_mode<synchronous>, transform_indices = @transform_4, window_bounds = array<i64: 128, 64>}, {pipeline_mode = #tpu.pipeline_mode<synchronous>, transform_indices = @transform_5, window_bounds = array<i64: 1, 64>}, {pipeline_mode = #tpu.pipeline_mode<synchronous>, transform_indices = @transform_6, window_bounds = array<i64: 64, 32>}, {pipeline_mode = #tpu.pipeline_mode<synchronous>, transform_indices = @transform_7, window_bounds = array<i64: 1, 32>}, {pipeline_mode = #tpu.pipeline_mode<synchronous>, transform_indices = @transform_8, window_bounds = array<i64: 32, 16>}, {pipeline_mode = #tpu.pipeline_mode<synchronous>, transform_indices = @transform_9, window_bounds = array<i64: 1, 16>}, {pipeline_mode = #tpu.pipeline_mode<synchronous>, transform_indices = @transform_10, window_bounds = array<i64: 16, 16>}, {transform_indices = @transform_11, window_bounds = array<i64: 1, 1, 16>}, {transform_indices = @transform_12, window_bounds = array<i64: 1, 1, 16>}]} {
    %get3A = arith.constant 0 : index
    %get3A_0 = arith.constant 0 : index
    %get3A_1 = vector.load %arg5[%get3A, %get3A_0] : memref<128x64xf32, #tpu.memory_space<vmem>>, vector<128x64xf32>
    %get3A_2 = arith.constant 0 : index
    %get3A_3 = arith.constant 0 : index
    %get3A_4 = vector.load %arg6[%get3A_2, %get3A_3] : memref<1x64xf32, #tpu.memory_space<vmem>>, vector<1x64xf32>
    %get3A_5 = arith.constant 0 : index
    %get3A_6 = arith.constant 0 : index
    %get3A_7 = vector.load %arg7[%get3A_5, %get3A_6] : memref<64x32xf32, #tpu.memory_space<vmem>>, vector<64x32xf32>
    %get3A_8 = arith.constant 0 : index
    %get3A_9 = arith.constant 0 : index
    %get3A_10 = vector.load %arg8[%get3A_8, %get3A_9] : memref<1x32xf32, #tpu.memory_space<vmem>>, vector<1x32xf32>
    %get3A_11 = arith.constant 0 : index
    %get3A_12 = arith.constant 0 : index
    %get3A_13 = vector.load %arg9[%get3A_11, %get3A_12] : memref<32x16xf32, #tpu.memory_space<vmem>>, vector<32x16xf32>
    %get3A_14 = arith.constant 0 : index
    %get3A_15 = arith.constant 0 : index
    %get3A_16 = vector.load %arg10[%get3A_14, %get3A_15] : memref<1x16xf32, #tpu.memory_space<vmem>>, vector<1x16xf32>
    %get3A_17 = arith.constant 0 : index
    %get3A_18 = arith.constant 0 : index
    %get3A_19 = vector.load %arg11[%get3A_17, %get3A_18] : memref<16x16xf32, #tpu.memory_space<vmem>>, vector<16x16xf32>
    %get3A_20 = arith.constant 0 : index
    %get3A_21 = arith.constant 0 : index
    %get3A_22 = arith.constant 0 : index
    %get3A_23 = vector.load %arg1[%get3A_20, %get3A_21, %get3A_22] : memref<1x250x250xf32, #tpu.memory_space<vmem>>, vector<1x250x250xf32>
    %get3A_24 = vector.shape_cast %get3A_23 : vector<1x250x250xf32> to vector<250x250xf32>
    %reduce_sum3A = arith.constant dense<0.000000e+00> : vector<250xf32>
    %reduce_sum3A_25 = vector.multi_reduction <add>, %get3A_24, %reduce_sum3A [1] : vector<250x250xf32> to vector<250xf32>
    %broadcast_in_dim3A = vector.shape_cast %reduce_sum3A_25 : vector<250xf32> to vector<250x1xf32>
    %add3A = arith.constant 1.000000e+00 : f32
    %add3A_26 = vector.broadcast %add3A : f32 to vector<250x1xf32>
    %add3A_27 = arith.addf %broadcast_in_dim3A, %add3A_26 : vector<250x1xf32>
    %rsqrt3A = math.rsqrt %add3A_27 : vector<250x1xf32>
    %get3A_28 = arith.constant 0 : index
    %get3A_29 = arith.constant 0 : index
    %get3A_30 = arith.constant 0 : index
    %get3A_31 = vector.load %arg2[%get3A_28, %get3A_29, %get3A_30] : memref<1x250x128xf32, #tpu.memory_space<vmem>>, vector<1x250x128xf32>
    %get3A_32 = vector.shape_cast %get3A_31 : vector<1x250x128xf32> to vector<250x128xf32>
    %dot_general3A = arith.constant dense<0.000000e+00> : vector<250x64xf32>
    %dot_general3A_33 = tpu.matmul %get3A_32, %get3A_1, %dot_general3A {dimension_numbers = #tpu.dot_dimension_numbers<[1], [0], [0], [1], [0, 0, 1, 1], [], []>, transpose_lhs_hint = false} : vector<250x128xf32>, vector<128x64xf32>, vector<250x64xf32> -> vector<250x64xf32>
    %add3A_34 = vector.broadcast %get3A_4 : vector<1x64xf32> to vector<250x64xf32>
    %add3A_35 = arith.addf %dot_general3A_33, %add3A_34 : vector<250x64xf32>
    %mul3A = vector.broadcast %rsqrt3A : vector<250x1xf32> to vector<250x64xf32>
    %mul3A_36 = arith.mulf %mul3A, %add3A_35 : vector<250x64xf32>
    %dot_general3A_37 = arith.constant dense<0.000000e+00> : vector<250x64xf32>
    %dot_general3A_38 = tpu.matmul %get3A_24, %mul3A_36, %dot_general3A_37 {dimension_numbers = #tpu.dot_dimension_numbers<[1], [0], [0], [1], [0, 0, 1, 1], [], []>, precision = #tpu.contract_precision<fp32>, transpose_lhs_hint = false} : vector<250x250xf32>, vector<250x64xf32>, vector<250x64xf32> -> vector<250x64xf32>
    %add3A_39 = arith.addf %dot_general3A_38, %mul3A_36 : vector<250x64xf32>
    %mul3A_40 = vector.broadcast %rsqrt3A : vector<250x1xf32> to vector<250x64xf32>
    %mul3A_41 = arith.mulf %mul3A_40, %add3A_39 : vector<250x64xf32>
    %max3A = arith.constant 0.000000e+00 : f32
    %max3A_42 = vector.broadcast %max3A : f32 to vector<250x64xf32>
    %max3A_43 = arith.maximumf %mul3A_41, %max3A_42 : vector<250x64xf32>
    %dot_general3A_44 = arith.constant dense<0.000000e+00> : vector<250x32xf32>
    %dot_general3A_45 = tpu.matmul %max3A_43, %get3A_7, %dot_general3A_44 {dimension_numbers = #tpu.dot_dimension_numbers<[1], [0], [0], [1], [0, 0, 1, 1], [], []>, transpose_lhs_hint = false} : vector<250x64xf32>, vector<64x32xf32>, vector<250x32xf32> -> vector<250x32xf32>
    %add3A_46 = vector.broadcast %get3A_10 : vector<1x32xf32> to vector<250x32xf32>
    %add3A_47 = arith.addf %dot_general3A_45, %add3A_46 : vector<250x32xf32>
    %mul3A_48 = vector.broadcast %rsqrt3A : vector<250x1xf32> to vector<250x32xf32>
    %mul3A_49 = arith.mulf %mul3A_48, %add3A_47 : vector<250x32xf32>
    %dot_general3A_50 = arith.constant dense<0.000000e+00> : vector<250x32xf32>
    %dot_general3A_51 = tpu.matmul %get3A_24, %mul3A_49, %dot_general3A_50 {dimension_numbers = #tpu.dot_dimension_numbers<[1], [0], [0], [1], [0, 0, 1, 1], [], []>, precision = #tpu.contract_precision<fp32>, transpose_lhs_hint = false} : vector<250x250xf32>, vector<250x32xf32>, vector<250x32xf32> -> vector<250x32xf32>
    %add3A_52 = arith.addf %dot_general3A_51, %mul3A_49 : vector<250x32xf32>
    %mul3A_53 = vector.broadcast %rsqrt3A : vector<250x1xf32> to vector<250x32xf32>
    %mul3A_54 = arith.mulf %mul3A_53, %add3A_52 : vector<250x32xf32>
    %max3A_55 = arith.constant 0.000000e+00 : f32
    %max3A_56 = vector.broadcast %max3A_55 : f32 to vector<250x32xf32>
    %max3A_57 = arith.maximumf %mul3A_54, %max3A_56 : vector<250x32xf32>
    %dot_general3A_58 = arith.constant dense<0.000000e+00> : vector<250x16xf32>
    %dot_general3A_59 = tpu.matmul %max3A_57, %get3A_13, %dot_general3A_58 {dimension_numbers = #tpu.dot_dimension_numbers<[1], [0], [0], [1], [0, 0, 1, 1], [], []>, transpose_lhs_hint = false} : vector<250x32xf32>, vector<32x16xf32>, vector<250x16xf32> -> vector<250x16xf32>
    %add3A_60 = vector.broadcast %get3A_16 : vector<1x16xf32> to vector<250x16xf32>
    %add3A_61 = arith.addf %dot_general3A_59, %add3A_60 : vector<250x16xf32>
    %mul3A_62 = vector.broadcast %rsqrt3A : vector<250x1xf32> to vector<250x16xf32>
    %mul3A_63 = arith.mulf %mul3A_62, %add3A_61 : vector<250x16xf32>
    %dot_general3A_64 = arith.constant dense<0.000000e+00> : vector<250x16xf32>
    %dot_general3A_65 = tpu.matmul %get3A_24, %mul3A_63, %dot_general3A_64 {dimension_numbers = #tpu.dot_dimension_numbers<[1], [0], [0], [1], [0, 0, 1, 1], [], []>, precision = #tpu.contract_precision<fp32>, transpose_lhs_hint = false} : vector<250x250xf32>, vector<250x16xf32>, vector<250x16xf32> -> vector<250x16xf32>
    %add3A_66 = arith.addf %dot_general3A_65, %mul3A_63 : vector<250x16xf32>
    %mul3A_67 = vector.broadcast %rsqrt3A : vector<250x1xf32> to vector<250x16xf32>
    %mul3A_68 = arith.mulf %mul3A_67, %add3A_66 : vector<250x16xf32>
    %dot_general3A_69 = arith.constant dense<0.000000e+00> : vector<250x16xf32>
    %dot_general3A_70 = tpu.matmul %mul3A_68, %get3A_19, %dot_general3A_69 {dimension_numbers = #tpu.dot_dimension_numbers<[1], [0], [0], [1], [0, 0, 1, 1], [], []>, transpose_lhs_hint = false} : vector<250x16xf32>, vector<16x16xf32>, vector<250x16xf32> -> vector<250x16xf32>
    %reduce_sum3A_71 = arith.constant dense<0.000000e+00> : vector<16xf32>
    %reduce_sum3A_72 = vector.multi_reduction <add>, %dot_general3A_70, %reduce_sum3A_71 [0] : vector<250x16xf32> to vector<16xf32>
    %broadcast_in_dim3A_73 = vector.shape_cast %reduce_sum3A_72 : vector<16xf32> to vector<1x16xf32>
    %mul3A_74 = arith.constant 4.000000e-03 : f32
    %mul3A_75 = vector.broadcast %mul3A_74 : f32 to vector<1x16xf32>
    %mul3A_76 = arith.mulf %broadcast_in_dim3A_73, %mul3A_75 : vector<1x16xf32>
    %mul3A_77 = arith.constant 2.000000e+00 : f32
    %mul3A_78 = vector.broadcast %mul3A_77 : f32 to vector<1x16xf32>
    %mul3A_79 = arith.mulf %mul3A_78, %mul3A_76 : vector<1x16xf32>
    %exp3A = math.exp %mul3A_79 : vector<1x16xf32>
    %add3A_80 = arith.constant 1.000000e+00 : f32
    %add3A_81 = vector.broadcast %add3A_80 : f32 to vector<1x16xf32>
    %add3A_82 = arith.addf %exp3A, %add3A_81 : vector<1x16xf32>
    %div3A = arith.constant 2.000000e+00 : f32
    %div3A_83 = vector.broadcast %div3A : f32 to vector<1x16xf32>
    %div3A_84 = arith.divf %div3A_83, %add3A_82 : vector<1x16xf32>
    %sub3A = arith.constant 1.000000e+00 : f32
    %sub3A_85 = vector.broadcast %sub3A : f32 to vector<1x16xf32>
    %sub3A_86 = arith.subf %sub3A_85, %div3A_84 : vector<1x16xf32>
    %mul3A_87 = vector.broadcast %sub3A_86 : vector<1x16xf32> to vector<250x16xf32>
    %mul3A_88 = arith.mulf %mul3A_68, %mul3A_87 : vector<250x16xf32>
    %reduce_sum3A_89 = arith.constant dense<0.000000e+00> : vector<250xf32>
    %reduce_sum3A_90 = vector.multi_reduction <add>, %mul3A_88, %reduce_sum3A_89 [1] : vector<250x16xf32> to vector<250xf32>
    %broadcast_in_dim3A_91 = vector.shape_cast %reduce_sum3A_90 : vector<250xf32> to vector<250x1xf32>
    %neg3A = arith.constant 0.000000e+00 : f32
    %neg3A_92 = vector.broadcast %neg3A : f32 to vector<250x1xf32>
    %neg3A_93 = arith.subf %neg3A_92, %broadcast_in_dim3A_91 : vector<250x1xf32>
    %exp3A_94 = math.exp %neg3A_93 : vector<250x1xf32>
    %add3A_95 = arith.constant 1.000000e+00 : f32
    %add3A_96 = vector.broadcast %add3A_95 : f32 to vector<250x1xf32>
    %add3A_97 = arith.addf %add3A_96, %exp3A_94 : vector<250x1xf32>
    %div3A_98 = arith.constant 1.000000e+00 : f32
    %div3A_99 = vector.broadcast %div3A_98 : f32 to vector<250x1xf32>
    %div3A_100 = arith.divf %div3A_99, %add3A_97 : vector<250x1xf32>
    %mul3A_101 = vector.broadcast %div3A_100 : vector<250x1xf32> to vector<250x16xf32>
    %mul3A_102 = arith.mulf %mul3A_68, %mul3A_101 : vector<250x16xf32>
    %reduce_sum3A_103 = arith.constant dense<0.000000e+00> : vector<16xf32>
    %reduce_sum3A_104 = vector.multi_reduction <add>, %mul3A_102, %reduce_sum3A_103 [0] : vector<250x16xf32> to vector<16xf32>
    %broadcast_in_dim3A_105 = vector.shape_cast %reduce_sum3A_104 : vector<16xf32> to vector<1x16xf32>
    %swap3A = arith.constant 0 : index
    %swap3A_106 = arith.constant 0 : index
    %swap3A_107 = arith.constant 0 : index
    %swap3A_108 = vector.load %arg12[%swap3A, %swap3A_106, %swap3A_107] : memref<1x1x16xf32, #tpu.memory_space<vmem>>, vector<1x1x16xf32>
    %swap3A_109 = vector.shape_cast %swap3A_108 : vector<1x1x16xf32> to vector<1x16xf32>
    %swap3A_110 = vector.shape_cast %broadcast_in_dim3A_105 : vector<1x16xf32> to vector<1x1x16xf32>
    tpu.vector_store %arg12[%swap3A, %swap3A_106, %swap3A_107], %swap3A_110 {strides = array<i32>} : memref<1x1x16xf32, #tpu.memory_space<vmem>>, vector<1x1x16xf32>,
    %get3A_111 = arith.constant 0 : index
    %get3A_112 = arith.constant 0 : index
    %get3A_113 = arith.constant 0 : index
    %get3A_114 = vector.load %arg3[%get3A_111, %get3A_112, %get3A_113] : memref<1x250x250xf32, #tpu.memory_space<vmem>>, vector<1x250x250xf32>
    %get3A_115 = vector.shape_cast %get3A_114 : vector<1x250x250xf32> to vector<250x250xf32>
    %reduce_sum3A_116 = arith.constant dense<0.000000e+00> : vector<250xf32>
    %reduce_sum3A_117 = vector.multi_reduction <add>, %get3A_115, %reduce_sum3A_116 [1] : vector<250x250xf32> to vector<250xf32>
    %broadcast_in_dim3A_118 = vector.shape_cast %reduce_sum3A_117 : vector<250xf32> to vector<250x1xf32>
    %add3A_119 = arith.constant 1.000000e+00 : f32
    %add3A_120 = vector.broadcast %add3A_119 : f32 to vector<250x1xf32>
    %add3A_121 = arith.addf %broadcast_in_dim3A_118, %add3A_120 : vector<250x1xf32>
    %rsqrt3A_122 = math.rsqrt %add3A_121 : vector<250x1xf32>
    %get3A_123 = arith.constant 0 : index
    %get3A_124 = arith.constant 0 : index
    %get3A_125 = arith.constant 0 : index
    %get3A_126 = vector.load %arg4[%get3A_123, %get3A_124, %get3A_125] : memref<1x250x128xf32, #tpu.memory_space<vmem>>, vector<1x250x128xf32>
    %get3A_127 = vector.shape_cast %get3A_126 : vector<1x250x128xf32> to vector<250x128xf32>
    %dot_general3A_128 = arith.constant dense<0.000000e+00> : vector<250x64xf32>
    %dot_general3A_129 = tpu.matmul %get3A_127, %get3A_1, %dot_general3A_128 {dimension_numbers = #tpu.dot_dimension_numbers<[1], [0], [0], [1], [0, 0, 1, 1], [], []>, transpose_lhs_hint = false} : vector<250x128xf32>, vector<128x64xf32>, vector<250x64xf32> -> vector<250x64xf32>
    %add3A_130 = vector.broadcast %get3A_4 : vector<1x64xf32> to vector<250x64xf32>
    %add3A_131 = arith.addf %dot_general3A_129, %add3A_130 : vector<250x64xf32>
    %mul3A_132 = vector.broadcast %rsqrt3A_122 : vector<250x1xf32> to vector<250x64xf32>
    %mul3A_133 = arith.mulf %mul3A_132, %add3A_131 : vector<250x64xf32>
    %dot_general3A_134 = arith.constant dense<0.000000e+00> : vector<250x64xf32>
    %dot_general3A_135 = tpu.matmul %get3A_115, %mul3A_133, %dot_general3A_134 {dimension_numbers = #tpu.dot_dimension_numbers<[1], [0], [0], [1], [0, 0, 1, 1], [], []>, precision = #tpu.contract_precision<fp32>, transpose_lhs_hint = false} : vector<250x250xf32>, vector<250x64xf32>, vector<250x64xf32> -> vector<250x64xf32>
    %add3A_136 = arith.addf %dot_general3A_135, %mul3A_133 : vector<250x64xf32>
    %mul3A_137 = vector.broadcast %rsqrt3A_122 : vector<250x1xf32> to vector<250x64xf32>
    %mul3A_138 = arith.mulf %mul3A_137, %add3A_136 : vector<250x64xf32>
    %max3A_139 = arith.constant 0.000000e+00 : f32
    %max3A_140 = vector.broadcast %max3A_139 : f32 to vector<250x64xf32>
    %max3A_141 = arith.maximumf %mul3A_138, %max3A_140 : vector<250x64xf32>
    %dot_general3A_142 = arith.constant dense<0.000000e+00> : vector<250x32xf32>
    %dot_general3A_143 = tpu.matmul %max3A_141, %get3A_7, %dot_general3A_142 {dimension_numbers = #tpu.dot_dimension_numbers<[1], [0], [0], [1], [0, 0, 1, 1], [], []>, transpose_lhs_hint = false} : vector<250x64xf32>, vector<64x32xf32>, vector<250x32xf32> -> vector<250x32xf32>
    %add3A_144 = vector.broadcast %get3A_10 : vector<1x32xf32> to vector<250x32xf32>
    %add3A_145 = arith.addf %dot_general3A_143, %add3A_144 : vector<250x32xf32>
    %mul3A_146 = vector.broadcast %rsqrt3A_122 : vector<250x1xf32> to vector<250x32xf32>
    %mul3A_147 = arith.mulf %mul3A_146, %add3A_145 : vector<250x32xf32>
    %dot_general3A_148 = arith.constant dense<0.000000e+00> : vector<250x32xf32>
    %dot_general3A_149 = tpu.matmul %get3A_115, %mul3A_147, %dot_general3A_148 {dimension_numbers = #tpu.dot_dimension_numbers<[1], [0], [0], [1], [0, 0, 1, 1], [], []>, precision = #tpu.contract_precision<fp32>, transpose_lhs_hint = false} : vector<250x250xf32>, vector<250x32xf32>, vector<250x32xf32> -> vector<250x32xf32>
    %add3A_150 = arith.addf %dot_general3A_149, %mul3A_147 : vector<250x32xf32>
    %mul3A_151 = vector.broadcast %rsqrt3A_122 : vector<250x1xf32> to vector<250x32xf32>
    %mul3A_152 = arith.mulf %mul3A_151, %add3A_150 : vector<250x32xf32>
    %max3A_153 = arith.constant 0.000000e+00 : f32
    %max3A_154 = vector.broadcast %max3A_153 : f32 to vector<250x32xf32>
    %max3A_155 = arith.maximumf %mul3A_152, %max3A_154 : vector<250x32xf32>
    %dot_general3A_156 = arith.constant dense<0.000000e+00> : vector<250x16xf32>
    %dot_general3A_157 = tpu.matmul %max3A_155, %get3A_13, %dot_general3A_156 {dimension_numbers = #tpu.dot_dimension_numbers<[1], [0], [0], [1], [0, 0, 1, 1], [], []>, transpose_lhs_hint = false} : vector<250x32xf32>, vector<32x16xf32>, vector<250x16xf32> -> vector<250x16xf32>
    %add3A_158 = vector.broadcast %get3A_16 : vector<1x16xf32> to vector<250x16xf32>
    %add3A_159 = arith.addf %dot_general3A_157, %add3A_158 : vector<250x16xf32>
    %mul3A_160 = vector.broadcast %rsqrt3A_122 : vector<250x1xf32> to vector<250x16xf32>
    %mul3A_161 = arith.mulf %mul3A_160, %add3A_159 : vector<250x16xf32>
    %dot_general3A_162 = arith.constant dense<0.000000e+00> : vector<250x16xf32>
    %dot_general3A_163 = tpu.matmul %get3A_115, %mul3A_161, %dot_general3A_162 {dimension_numbers = #tpu.dot_dimension_numbers<[1], [0], [0], [1], [0, 0, 1, 1], [], []>, precision = #tpu.contract_precision<fp32>, transpose_lhs_hint = false} : vector<250x250xf32>, vector<250x16xf32>, vector<250x16xf32> -> vector<250x16xf32>
    %add3A_164 = arith.addf %dot_general3A_163, %mul3A_161 : vector<250x16xf32>
    %mul3A_165 = vector.broadcast %rsqrt3A_122 : vector<250x1xf32> to vector<250x16xf32>
    %mul3A_166 = arith.mulf %mul3A_165, %add3A_164 : vector<250x16xf32>
    %dot_general3A_167 = arith.constant dense<0.000000e+00> : vector<250x16xf32>
    %dot_general3A_168 = tpu.matmul %mul3A_166, %get3A_19, %dot_general3A_167 {dimension_numbers = #tpu.dot_dimension_numbers<[1], [0], [0], [1], [0, 0, 1, 1], [], []>, transpose_lhs_hint = false} : vector<250x16xf32>, vector<16x16xf32>, vector<250x16xf32> -> vector<250x16xf32>
    %reduce_sum3A_169 = arith.constant dense<0.000000e+00> : vector<16xf32>
    %reduce_sum3A_170 = vector.multi_reduction <add>, %dot_general3A_168, %reduce_sum3A_169 [0] : vector<250x16xf32> to vector<16xf32>
    %broadcast_in_dim3A_171 = vector.shape_cast %reduce_sum3A_170 : vector<16xf32> to vector<1x16xf32>
    %mul3A_172 = arith.constant 4.000000e-03 : f32
    %mul3A_173 = vector.broadcast %mul3A_172 : f32 to vector<1x16xf32>
    %mul3A_174 = arith.mulf %broadcast_in_dim3A_171, %mul3A_173 : vector<1x16xf32>
    %mul3A_175 = arith.constant 2.000000e+00 : f32
    %mul3A_176 = vector.broadcast %mul3A_175 : f32 to vector<1x16xf32>
    %mul3A_177 = arith.mulf %mul3A_176, %mul3A_174 : vector<1x16xf32>
    %exp3A_178 = math.exp %mul3A_177 : vector<1x16xf32>
    %add3A_179 = arith.constant 1.000000e+00 : f32
    %add3A_180 = vector.broadcast %add3A_179 : f32 to vector<1x16xf32>
    %add3A_181 = arith.addf %exp3A_178, %add3A_180 : vector<1x16xf32>
    %div3A_182 = arith.constant 2.000000e+00 : f32
    %div3A_183 = vector.broadcast %div3A_182 : f32 to vector<1x16xf32>
    %div3A_184 = arith.divf %div3A_183, %add3A_181 : vector<1x16xf32>
    %sub3A_185 = arith.constant 1.000000e+00 : f32
    %sub3A_186 = vector.broadcast %sub3A_185 : f32 to vector<1x16xf32>
    %sub3A_187 = arith.subf %sub3A_186, %div3A_184 : vector<1x16xf32>
    %mul3A_188 = vector.broadcast %sub3A_187 : vector<1x16xf32> to vector<250x16xf32>
    %mul3A_189 = arith.mulf %mul3A_166, %mul3A_188 : vector<250x16xf32>
    %reduce_sum3A_190 = arith.constant dense<0.000000e+00> : vector<250xf32>
    %reduce_sum3A_191 = vector.multi_reduction <add>, %mul3A_189, %reduce_sum3A_190 [1] : vector<250x16xf32> to vector<250xf32>
    %broadcast_in_dim3A_192 = vector.shape_cast %reduce_sum3A_191 : vector<250xf32> to vector<250x1xf32>
    %neg3A_193 = arith.constant 0.000000e+00 : f32
    %neg3A_194 = vector.broadcast %neg3A_193 : f32 to vector<250x1xf32>
    %neg3A_195 = arith.subf %neg3A_194, %broadcast_in_dim3A_192 : vector<250x1xf32>
    %exp3A_196 = math.exp %neg3A_195 : vector<250x1xf32>
    %add3A_197 = arith.constant 1.000000e+00 : f32
    %add3A_198 = vector.broadcast %add3A_197 : f32 to vector<250x1xf32>
    %add3A_199 = arith.addf %add3A_198, %exp3A_196 : vector<250x1xf32>
    %div3A_200 = arith.constant 1.000000e+00 : f32
    %div3A_201 = vector.broadcast %div3A_200 : f32 to vector<250x1xf32>
    %div3A_202 = arith.divf %div3A_201, %add3A_199 : vector<250x1xf32>
    %mul3A_203 = vector.broadcast %div3A_202 : vector<250x1xf32> to vector<250x16xf32>
    %mul3A_204 = arith.mulf %mul3A_166, %mul3A_203 : vector<250x16xf32>
    %reduce_sum3A_205 = arith.constant dense<0.000000e+00> : vector<16xf32>
    %reduce_sum3A_206 = vector.multi_reduction <add>, %mul3A_204, %reduce_sum3A_205 [0] : vector<250x16xf32> to vector<16xf32>
    %broadcast_in_dim3A_207 = vector.shape_cast %reduce_sum3A_206 : vector<16xf32> to vector<1x16xf32>
    %swap3A_208 = arith.constant 0 : index
    %swap3A_209 = arith.constant 0 : index
    %swap3A_210 = arith.constant 0 : index
    %swap3A_211 = vector.load %arg13[%swap3A_208, %swap3A_209, %swap3A_210] : memref<1x1x16xf32, #tpu.memory_space<vmem>>, vector<1x1x16xf32>
    %swap3A_212 = vector.shape_cast %swap3A_211 : vector<1x1x16xf32> to vector<1x16xf32>
    %swap3A_213 = vector.shape_cast %broadcast_in_dim3A_207 : vector<1x16xf32> to vector<1x1x16xf32>
    tpu.vector_store %arg13[%swap3A_208, %swap3A_209, %swap3A_210], %swap3A_213 {strides = array<i32>} : memref<1x1x16xf32, #tpu.memory_space<vmem>>, vector<1x1x16xf32>,
    return
  }
  func.func @transform_0(%arg0: i32) -> (i32, i32, i32) {
    %c0_i32 = arith.constant 0 : i32
    %c0_i32_0 = arith.constant 0 : i32
    %c0_i32_1 = arith.constant 0 : i32
    return %arg0, %c0_i32, %c0_i32_0 : i32, i32, i32
  }
  func.func @transform_1(%arg0: i32) -> (i32, i32, i32) {
    %c0_i32 = arith.constant 0 : i32
    %c0_i32_0 = arith.constant 0 : i32
    %c0_i32_1 = arith.constant 0 : i32
    return %arg0, %c0_i32, %c0_i32_0 : i32, i32, i32
  }
  func.func @transform_2(%arg0: i32) -> (i32, i32, i32) {
    %c0_i32 = arith.constant 0 : i32
    %c0_i32_0 = arith.constant 0 : i32
    %c0_i32_1 = arith.constant 0 : i32
    return %arg0, %c0_i32, %c0_i32_0 : i32, i32, i32
  }
  func.func @transform_3(%arg0: i32) -> (i32, i32, i32) {
    %c0_i32 = arith.constant 0 : i32
    %c0_i32_0 = arith.constant 0 : i32
    %c0_i32_1 = arith.constant 0 : i32
    return %arg0, %c0_i32, %c0_i32_0 : i32, i32, i32
  }
  func.func @transform_4(%arg0: i32) -> (i32, i32) {
    %c0_i32 = arith.constant 0 : i32
    %c0_i32_0 = arith.constant 0 : i32
    %c0_i32_1 = arith.constant 0 : i32
    return %c0_i32, %c0_i32_0 : i32, i32
  }
  func.func @transform_5(%arg0: i32) -> (i32, i32) {
    %c0_i32 = arith.constant 0 : i32
    %c0_i32_0 = arith.constant 0 : i32
    %c0_i32_1 = arith.constant 0 : i32
    return %c0_i32, %c0_i32_0 : i32, i32
  }
  func.func @transform_6(%arg0: i32) -> (i32, i32) {
    %c0_i32 = arith.constant 0 : i32
    %c0_i32_0 = arith.constant 0 : i32
    %c0_i32_1 = arith.constant 0 : i32
    return %c0_i32, %c0_i32_0 : i32, i32
  }
  func.func @transform_7(%arg0: i32) -> (i32, i32) {
    %c0_i32 = arith.constant 0 : i32
    %c0_i32_0 = arith.constant 0 : i32
    %c0_i32_1 = arith.constant 0 : i32
    return %c0_i32, %c0_i32_0 : i32, i32
  }
  func.func @transform_8(%arg0: i32) -> (i32, i32) {
    %c0_i32 = arith.constant 0 : i32
    %c0_i32_0 = arith.constant 0 : i32
    %c0_i32_1 = arith.constant 0 : i32
    return %c0_i32, %c0_i32_0 : i32, i32
  }
  func.func @transform_9(%arg0: i32) -> (i32, i32) {
    %c0_i32 = arith.constant 0 : i32
    %c0_i32_0 = arith.constant 0 : i32
    %c0_i32_1 = arith.constant 0 : i32
    return %c0_i32, %c0_i32_0 : i32, i32
  }
  func.func @transform_10(%arg0: i32) -> (i32, i32) {
    %c0_i32 = arith.constant 0 : i32
    %c0_i32_0 = arith.constant 0 : i32
    %c0_i32_1 = arith.constant 0 : i32
    return %c0_i32, %c0_i32_0 : i32, i32
  }
  func.func @transform_11(%arg0: i32) -> (i32, i32, i32) {
    %c0_i32 = arith.constant 0 : i32
    %c0_i32_0 = arith.constant 0 : i32
    %c0_i32_1 = arith.constant 0 : i32
    return %arg0, %c0_i32, %c0_i32_0 : i32, i32, i32
  }
  func.func @transform_12(%arg0: i32) -> (i32, i32, i32) {
    %c0_i32 = arith.constant 0 : i32
    %c0_i32_0 = arith.constant 0 : i32
    %c0_i32_1 = arith.constant 0 : i32
    return %arg0, %c0_i32, %c0_i32_0 : i32, i32, i32
  }
}

module attributes {stable_mosaic.version = 14 : i64} {
  func.func @_head_body(%arg0: memref<40x16xf32, #tpu.memory_space<vmem>>, %arg1: memref<40x16xf32, #tpu.memory_space<vmem>>, %arg2: memref<16x16x16xf32, #tpu.memory_space<vmem>>, %arg3: memref<32x16xf32, #tpu.memory_space<vmem>>, %arg4: memref<1x16xf32, #tpu.memory_space<vmem>>, %arg5: memref<16x16xf32, #tpu.memory_space<vmem>>, %arg6: memref<1x16xf32, #tpu.memory_space<vmem>>, %arg7: memref<1x16xf32, #tpu.memory_space<vmem>>, %arg8: memref<1x1xf32, #tpu.memory_space<vmem>>, %arg9: memref<40x1xf32, #tpu.memory_space<vmem>>) attributes {dimension_semantics = [], scalar_prefetch = 0 : i64, scratch_operands = 0 : i64, tpu.core_type = #tpu.core_type<tc>} {
    %get3A = arith.constant 0 : index
    %get3A_0 = arith.constant 0 : index
    %get3A_1 = vector.load %arg0[%get3A, %get3A_0] : memref<40x16xf32, #tpu.memory_space<vmem>>, vector<40x16xf32>
    %get3A_2 = arith.constant 0 : index
    %get3A_3 = arith.constant 0 : index
    %get3A_4 = vector.load %arg1[%get3A_2, %get3A_3] : memref<40x16xf32, #tpu.memory_space<vmem>>, vector<40x16xf32>
    %get3A_5 = arith.constant 0 : index
    %get3A_6 = arith.constant 0 : index
    %get3A_7 = arith.constant 0 : index
    %get3A_8 = vector.load %arg2[%get3A_5, %get3A_6, %get3A_7] : memref<16x16x16xf32, #tpu.memory_space<vmem>>, vector<1x16x16xf32>
    %get3A_9 = vector.shape_cast %get3A_8 : vector<1x16x16xf32> to vector<16x16xf32>
    %dot_general3A = arith.constant dense<0.000000e+00> : vector<40x16xf32>
    %dot_general3A_10 = tpu.matmul %get3A_1, %get3A_9, %dot_general3A {dimension_numbers = #tpu.dot_dimension_numbers<[1], [0], [0], [1], [0, 0, 1, 1], [], []>, transpose_lhs_hint = false} : vector<40x16xf32>, vector<16x16xf32>, vector<40x16xf32> -> vector<40x16xf32>
    %mul3A = arith.mulf %dot_general3A_10, %get3A_4 : vector<40x16xf32>
    %reduce_sum3A = arith.constant dense<0.000000e+00> : vector<40xf32>
    %reduce_sum3A_11 = vector.multi_reduction <add>, %mul3A, %reduce_sum3A [1] : vector<40x16xf32> to vector<40xf32>
    %broadcast_in_dim3A = vector.shape_cast %reduce_sum3A_11 : vector<40xf32> to vector<40x1xf32>
    %get3A_12 = arith.constant 1 : index
    %get3A_13 = arith.constant 0 : index
    %get3A_14 = arith.constant 0 : index
    %get3A_15 = vector.load %arg2[%get3A_12, %get3A_13, %get3A_14] : memref<16x16x16xf32, #tpu.memory_space<vmem>>, vector<1x16x16xf32>
    %get3A_16 = vector.shape_cast %get3A_15 : vector<1x16x16xf32> to vector<16x16xf32>
    %dot_general3A_17 = arith.constant dense<0.000000e+00> : vector<40x16xf32>
    %dot_general3A_18 = tpu.matmul %get3A_1, %get3A_16, %dot_general3A_17 {dimension_numbers = #tpu.dot_dimension_numbers<[1], [0], [0], [1], [0, 0, 1, 1], [], []>, transpose_lhs_hint = false} : vector<40x16xf32>, vector<16x16xf32>, vector<40x16xf32> -> vector<40x16xf32>
    %mul3A_19 = arith.mulf %dot_general3A_18, %get3A_4 : vector<40x16xf32>
    %reduce_sum3A_20 = arith.constant dense<0.000000e+00> : vector<40xf32>
    %reduce_sum3A_21 = vector.multi_reduction <add>, %mul3A_19, %reduce_sum3A_20 [1] : vector<40x16xf32> to vector<40xf32>
    %broadcast_in_dim3A_22 = vector.shape_cast %reduce_sum3A_21 : vector<40xf32> to vector<40x1xf32>
    %get3A_23 = arith.constant 2 : index
    %get3A_24 = arith.constant 0 : index
    %get3A_25 = arith.constant 0 : index
    %get3A_26 = vector.load %arg2[%get3A_23, %get3A_24, %get3A_25] : memref<16x16x16xf32, #tpu.memory_space<vmem>>, vector<1x16x16xf32>
    %get3A_27 = vector.shape_cast %get3A_26 : vector<1x16x16xf32> to vector<16x16xf32>
    %dot_general3A_28 = arith.constant dense<0.000000e+00> : vector<40x16xf32>
    %dot_general3A_29 = tpu.matmul %get3A_1, %get3A_27, %dot_general3A_28 {dimension_numbers = #tpu.dot_dimension_numbers<[1], [0], [0], [1], [0, 0, 1, 1], [], []>, transpose_lhs_hint = false} : vector<40x16xf32>, vector<16x16xf32>, vector<40x16xf32> -> vector<40x16xf32>
    %mul3A_30 = arith.mulf %dot_general3A_29, %get3A_4 : vector<40x16xf32>
    %reduce_sum3A_31 = arith.constant dense<0.000000e+00> : vector<40xf32>
    %reduce_sum3A_32 = vector.multi_reduction <add>, %mul3A_30, %reduce_sum3A_31 [1] : vector<40x16xf32> to vector<40xf32>
    %broadcast_in_dim3A_33 = vector.shape_cast %reduce_sum3A_32 : vector<40xf32> to vector<40x1xf32>
    %get3A_34 = arith.constant 3 : index
    %get3A_35 = arith.constant 0 : index
    %get3A_36 = arith.constant 0 : index
    %get3A_37 = vector.load %arg2[%get3A_34, %get3A_35, %get3A_36] : memref<16x16x16xf32, #tpu.memory_space<vmem>>, vector<1x16x16xf32>
    %get3A_38 = vector.shape_cast %get3A_37 : vector<1x16x16xf32> to vector<16x16xf32>
    %dot_general3A_39 = arith.constant dense<0.000000e+00> : vector<40x16xf32>
    %dot_general3A_40 = tpu.matmul %get3A_1, %get3A_38, %dot_general3A_39 {dimension_numbers = #tpu.dot_dimension_numbers<[1], [0], [0], [1], [0, 0, 1, 1], [], []>, transpose_lhs_hint = false} : vector<40x16xf32>, vector<16x16xf32>, vector<40x16xf32> -> vector<40x16xf32>
    %mul3A_41 = arith.mulf %dot_general3A_40, %get3A_4 : vector<40x16xf32>
    %reduce_sum3A_42 = arith.constant dense<0.000000e+00> : vector<40xf32>
    %reduce_sum3A_43 = vector.multi_reduction <add>, %mul3A_41, %reduce_sum3A_42 [1] : vector<40x16xf32> to vector<40xf32>
    %broadcast_in_dim3A_44 = vector.shape_cast %reduce_sum3A_43 : vector<40xf32> to vector<40x1xf32>
    %get3A_45 = arith.constant 4 : index
    %get3A_46 = arith.constant 0 : index
    %get3A_47 = arith.constant 0 : index
    %get3A_48 = vector.load %arg2[%get3A_45, %get3A_46, %get3A_47] : memref<16x16x16xf32, #tpu.memory_space<vmem>>, vector<1x16x16xf32>
    %get3A_49 = vector.shape_cast %get3A_48 : vector<1x16x16xf32> to vector<16x16xf32>
    %dot_general3A_50 = arith.constant dense<0.000000e+00> : vector<40x16xf32>
    %dot_general3A_51 = tpu.matmul %get3A_1, %get3A_49, %dot_general3A_50 {dimension_numbers = #tpu.dot_dimension_numbers<[1], [0], [0], [1], [0, 0, 1, 1], [], []>, transpose_lhs_hint = false} : vector<40x16xf32>, vector<16x16xf32>, vector<40x16xf32> -> vector<40x16xf32>
    %mul3A_52 = arith.mulf %dot_general3A_51, %get3A_4 : vector<40x16xf32>
    %reduce_sum3A_53 = arith.constant dense<0.000000e+00> : vector<40xf32>
    %reduce_sum3A_54 = vector.multi_reduction <add>, %mul3A_52, %reduce_sum3A_53 [1] : vector<40x16xf32> to vector<40xf32>
    %broadcast_in_dim3A_55 = vector.shape_cast %reduce_sum3A_54 : vector<40xf32> to vector<40x1xf32>
    %get3A_56 = arith.constant 5 : index
    %get3A_57 = arith.constant 0 : index
    %get3A_58 = arith.constant 0 : index
    %get3A_59 = vector.load %arg2[%get3A_56, %get3A_57, %get3A_58] : memref<16x16x16xf32, #tpu.memory_space<vmem>>, vector<1x16x16xf32>
    %get3A_60 = vector.shape_cast %get3A_59 : vector<1x16x16xf32> to vector<16x16xf32>
    %dot_general3A_61 = arith.constant dense<0.000000e+00> : vector<40x16xf32>
    %dot_general3A_62 = tpu.matmul %get3A_1, %get3A_60, %dot_general3A_61 {dimension_numbers = #tpu.dot_dimension_numbers<[1], [0], [0], [1], [0, 0, 1, 1], [], []>, transpose_lhs_hint = false} : vector<40x16xf32>, vector<16x16xf32>, vector<40x16xf32> -> vector<40x16xf32>
    %mul3A_63 = arith.mulf %dot_general3A_62, %get3A_4 : vector<40x16xf32>
    %reduce_sum3A_64 = arith.constant dense<0.000000e+00> : vector<40xf32>
    %reduce_sum3A_65 = vector.multi_reduction <add>, %mul3A_63, %reduce_sum3A_64 [1] : vector<40x16xf32> to vector<40xf32>
    %broadcast_in_dim3A_66 = vector.shape_cast %reduce_sum3A_65 : vector<40xf32> to vector<40x1xf32>
    %get3A_67 = arith.constant 6 : index
    %get3A_68 = arith.constant 0 : index
    %get3A_69 = arith.constant 0 : index
    %get3A_70 = vector.load %arg2[%get3A_67, %get3A_68, %get3A_69] : memref<16x16x16xf32, #tpu.memory_space<vmem>>, vector<1x16x16xf32>
    %get3A_71 = vector.shape_cast %get3A_70 : vector<1x16x16xf32> to vector<16x16xf32>
    %dot_general3A_72 = arith.constant dense<0.000000e+00> : vector<40x16xf32>
    %dot_general3A_73 = tpu.matmul %get3A_1, %get3A_71, %dot_general3A_72 {dimension_numbers = #tpu.dot_dimension_numbers<[1], [0], [0], [1], [0, 0, 1, 1], [], []>, transpose_lhs_hint = false} : vector<40x16xf32>, vector<16x16xf32>, vector<40x16xf32> -> vector<40x16xf32>
    %mul3A_74 = arith.mulf %dot_general3A_73, %get3A_4 : vector<40x16xf32>
    %reduce_sum3A_75 = arith.constant dense<0.000000e+00> : vector<40xf32>
    %reduce_sum3A_76 = vector.multi_reduction <add>, %mul3A_74, %reduce_sum3A_75 [1] : vector<40x16xf32> to vector<40xf32>
    %broadcast_in_dim3A_77 = vector.shape_cast %reduce_sum3A_76 : vector<40xf32> to vector<40x1xf32>
    %get3A_78 = arith.constant 7 : index
    %get3A_79 = arith.constant 0 : index
    %get3A_80 = arith.constant 0 : index
    %get3A_81 = vector.load %arg2[%get3A_78, %get3A_79, %get3A_80] : memref<16x16x16xf32, #tpu.memory_space<vmem>>, vector<1x16x16xf32>
    %get3A_82 = vector.shape_cast %get3A_81 : vector<1x16x16xf32> to vector<16x16xf32>
    %dot_general3A_83 = arith.constant dense<0.000000e+00> : vector<40x16xf32>
    %dot_general3A_84 = tpu.matmul %get3A_1, %get3A_82, %dot_general3A_83 {dimension_numbers = #tpu.dot_dimension_numbers<[1], [0], [0], [1], [0, 0, 1, 1], [], []>, transpose_lhs_hint = false} : vector<40x16xf32>, vector<16x16xf32>, vector<40x16xf32> -> vector<40x16xf32>
    %mul3A_85 = arith.mulf %dot_general3A_84, %get3A_4 : vector<40x16xf32>
    %reduce_sum3A_86 = arith.constant dense<0.000000e+00> : vector<40xf32>
    %reduce_sum3A_87 = vector.multi_reduction <add>, %mul3A_85, %reduce_sum3A_86 [1] : vector<40x16xf32> to vector<40xf32>
    %broadcast_in_dim3A_88 = vector.shape_cast %reduce_sum3A_87 : vector<40xf32> to vector<40x1xf32>
    %get3A_89 = arith.constant 8 : index
    %get3A_90 = arith.constant 0 : index
    %get3A_91 = arith.constant 0 : index
    %get3A_92 = vector.load %arg2[%get3A_89, %get3A_90, %get3A_91] : memref<16x16x16xf32, #tpu.memory_space<vmem>>, vector<1x16x16xf32>
    %get3A_93 = vector.shape_cast %get3A_92 : vector<1x16x16xf32> to vector<16x16xf32>
    %dot_general3A_94 = arith.constant dense<0.000000e+00> : vector<40x16xf32>
    %dot_general3A_95 = tpu.matmul %get3A_1, %get3A_93, %dot_general3A_94 {dimension_numbers = #tpu.dot_dimension_numbers<[1], [0], [0], [1], [0, 0, 1, 1], [], []>, transpose_lhs_hint = false} : vector<40x16xf32>, vector<16x16xf32>, vector<40x16xf32> -> vector<40x16xf32>
    %mul3A_96 = arith.mulf %dot_general3A_95, %get3A_4 : vector<40x16xf32>
    %reduce_sum3A_97 = arith.constant dense<0.000000e+00> : vector<40xf32>
    %reduce_sum3A_98 = vector.multi_reduction <add>, %mul3A_96, %reduce_sum3A_97 [1] : vector<40x16xf32> to vector<40xf32>
    %broadcast_in_dim3A_99 = vector.shape_cast %reduce_sum3A_98 : vector<40xf32> to vector<40x1xf32>
    %get3A_100 = arith.constant 9 : index
    %get3A_101 = arith.constant 0 : index
    %get3A_102 = arith.constant 0 : index
    %get3A_103 = vector.load %arg2[%get3A_100, %get3A_101, %get3A_102] : memref<16x16x16xf32, #tpu.memory_space<vmem>>, vector<1x16x16xf32>
    %get3A_104 = vector.shape_cast %get3A_103 : vector<1x16x16xf32> to vector<16x16xf32>
    %dot_general3A_105 = arith.constant dense<0.000000e+00> : vector<40x16xf32>
    %dot_general3A_106 = tpu.matmul %get3A_1, %get3A_104, %dot_general3A_105 {dimension_numbers = #tpu.dot_dimension_numbers<[1], [0], [0], [1], [0, 0, 1, 1], [], []>, transpose_lhs_hint = false} : vector<40x16xf32>, vector<16x16xf32>, vector<40x16xf32> -> vector<40x16xf32>
    %mul3A_107 = arith.mulf %dot_general3A_106, %get3A_4 : vector<40x16xf32>
    %reduce_sum3A_108 = arith.constant dense<0.000000e+00> : vector<40xf32>
    %reduce_sum3A_109 = vector.multi_reduction <add>, %mul3A_107, %reduce_sum3A_108 [1] : vector<40x16xf32> to vector<40xf32>
    %broadcast_in_dim3A_110 = vector.shape_cast %reduce_sum3A_109 : vector<40xf32> to vector<40x1xf32>
    %get3A_111 = arith.constant 10 : index
    %get3A_112 = arith.constant 0 : index
    %get3A_113 = arith.constant 0 : index
    %get3A_114 = vector.load %arg2[%get3A_111, %get3A_112, %get3A_113] : memref<16x16x16xf32, #tpu.memory_space<vmem>>, vector<1x16x16xf32>
    %get3A_115 = vector.shape_cast %get3A_114 : vector<1x16x16xf32> to vector<16x16xf32>
    %dot_general3A_116 = arith.constant dense<0.000000e+00> : vector<40x16xf32>
    %dot_general3A_117 = tpu.matmul %get3A_1, %get3A_115, %dot_general3A_116 {dimension_numbers = #tpu.dot_dimension_numbers<[1], [0], [0], [1], [0, 0, 1, 1], [], []>, transpose_lhs_hint = false} : vector<40x16xf32>, vector<16x16xf32>, vector<40x16xf32> -> vector<40x16xf32>
    %mul3A_118 = arith.mulf %dot_general3A_117, %get3A_4 : vector<40x16xf32>
    %reduce_sum3A_119 = arith.constant dense<0.000000e+00> : vector<40xf32>
    %reduce_sum3A_120 = vector.multi_reduction <add>, %mul3A_118, %reduce_sum3A_119 [1] : vector<40x16xf32> to vector<40xf32>
    %broadcast_in_dim3A_121 = vector.shape_cast %reduce_sum3A_120 : vector<40xf32> to vector<40x1xf32>
    %get3A_122 = arith.constant 11 : index
    %get3A_123 = arith.constant 0 : index
    %get3A_124 = arith.constant 0 : index
    %get3A_125 = vector.load %arg2[%get3A_122, %get3A_123, %get3A_124] : memref<16x16x16xf32, #tpu.memory_space<vmem>>, vector<1x16x16xf32>
    %get3A_126 = vector.shape_cast %get3A_125 : vector<1x16x16xf32> to vector<16x16xf32>
    %dot_general3A_127 = arith.constant dense<0.000000e+00> : vector<40x16xf32>
    %dot_general3A_128 = tpu.matmul %get3A_1, %get3A_126, %dot_general3A_127 {dimension_numbers = #tpu.dot_dimension_numbers<[1], [0], [0], [1], [0, 0, 1, 1], [], []>, transpose_lhs_hint = false} : vector<40x16xf32>, vector<16x16xf32>, vector<40x16xf32> -> vector<40x16xf32>
    %mul3A_129 = arith.mulf %dot_general3A_128, %get3A_4 : vector<40x16xf32>
    %reduce_sum3A_130 = arith.constant dense<0.000000e+00> : vector<40xf32>
    %reduce_sum3A_131 = vector.multi_reduction <add>, %mul3A_129, %reduce_sum3A_130 [1] : vector<40x16xf32> to vector<40xf32>
    %broadcast_in_dim3A_132 = vector.shape_cast %reduce_sum3A_131 : vector<40xf32> to vector<40x1xf32>
    %get3A_133 = arith.constant 12 : index
    %get3A_134 = arith.constant 0 : index
    %get3A_135 = arith.constant 0 : index
    %get3A_136 = vector.load %arg2[%get3A_133, %get3A_134, %get3A_135] : memref<16x16x16xf32, #tpu.memory_space<vmem>>, vector<1x16x16xf32>
    %get3A_137 = vector.shape_cast %get3A_136 : vector<1x16x16xf32> to vector<16x16xf32>
    %dot_general3A_138 = arith.constant dense<0.000000e+00> : vector<40x16xf32>
    %dot_general3A_139 = tpu.matmul %get3A_1, %get3A_137, %dot_general3A_138 {dimension_numbers = #tpu.dot_dimension_numbers<[1], [0], [0], [1], [0, 0, 1, 1], [], []>, transpose_lhs_hint = false} : vector<40x16xf32>, vector<16x16xf32>, vector<40x16xf32> -> vector<40x16xf32>
    %mul3A_140 = arith.mulf %dot_general3A_139, %get3A_4 : vector<40x16xf32>
    %reduce_sum3A_141 = arith.constant dense<0.000000e+00> : vector<40xf32>
    %reduce_sum3A_142 = vector.multi_reduction <add>, %mul3A_140, %reduce_sum3A_141 [1] : vector<40x16xf32> to vector<40xf32>
    %broadcast_in_dim3A_143 = vector.shape_cast %reduce_sum3A_142 : vector<40xf32> to vector<40x1xf32>
    %get3A_144 = arith.constant 13 : index
    %get3A_145 = arith.constant 0 : index
    %get3A_146 = arith.constant 0 : index
    %get3A_147 = vector.load %arg2[%get3A_144, %get3A_145, %get3A_146] : memref<16x16x16xf32, #tpu.memory_space<vmem>>, vector<1x16x16xf32>
    %get3A_148 = vector.shape_cast %get3A_147 : vector<1x16x16xf32> to vector<16x16xf32>
    %dot_general3A_149 = arith.constant dense<0.000000e+00> : vector<40x16xf32>
    %dot_general3A_150 = tpu.matmul %get3A_1, %get3A_148, %dot_general3A_149 {dimension_numbers = #tpu.dot_dimension_numbers<[1], [0], [0], [1], [0, 0, 1, 1], [], []>, transpose_lhs_hint = false} : vector<40x16xf32>, vector<16x16xf32>, vector<40x16xf32> -> vector<40x16xf32>
    %mul3A_151 = arith.mulf %dot_general3A_150, %get3A_4 : vector<40x16xf32>
    %reduce_sum3A_152 = arith.constant dense<0.000000e+00> : vector<40xf32>
    %reduce_sum3A_153 = vector.multi_reduction <add>, %mul3A_151, %reduce_sum3A_152 [1] : vector<40x16xf32> to vector<40xf32>
    %broadcast_in_dim3A_154 = vector.shape_cast %reduce_sum3A_153 : vector<40xf32> to vector<40x1xf32>
    %get3A_155 = arith.constant 14 : index
    %get3A_156 = arith.constant 0 : index
    %get3A_157 = arith.constant 0 : index
    %get3A_158 = vector.load %arg2[%get3A_155, %get3A_156, %get3A_157] : memref<16x16x16xf32, #tpu.memory_space<vmem>>, vector<1x16x16xf32>
    %get3A_159 = vector.shape_cast %get3A_158 : vector<1x16x16xf32> to vector<16x16xf32>
    %dot_general3A_160 = arith.constant dense<0.000000e+00> : vector<40x16xf32>
    %dot_general3A_161 = tpu.matmul %get3A_1, %get3A_159, %dot_general3A_160 {dimension_numbers = #tpu.dot_dimension_numbers<[1], [0], [0], [1], [0, 0, 1, 1], [], []>, transpose_lhs_hint = false} : vector<40x16xf32>, vector<16x16xf32>, vector<40x16xf32> -> vector<40x16xf32>
    %mul3A_162 = arith.mulf %dot_general3A_161, %get3A_4 : vector<40x16xf32>
    %reduce_sum3A_163 = arith.constant dense<0.000000e+00> : vector<40xf32>
    %reduce_sum3A_164 = vector.multi_reduction <add>, %mul3A_162, %reduce_sum3A_163 [1] : vector<40x16xf32> to vector<40xf32>
    %broadcast_in_dim3A_165 = vector.shape_cast %reduce_sum3A_164 : vector<40xf32> to vector<40x1xf32>
    %get3A_166 = arith.constant 15 : index
    %get3A_167 = arith.constant 0 : index
    %get3A_168 = arith.constant 0 : index
    %get3A_169 = vector.load %arg2[%get3A_166, %get3A_167, %get3A_168] : memref<16x16x16xf32, #tpu.memory_space<vmem>>, vector<1x16x16xf32>
    %get3A_170 = vector.shape_cast %get3A_169 : vector<1x16x16xf32> to vector<16x16xf32>
    %dot_general3A_171 = arith.constant dense<0.000000e+00> : vector<40x16xf32>
    %dot_general3A_172 = tpu.matmul %get3A_1, %get3A_170, %dot_general3A_171 {dimension_numbers = #tpu.dot_dimension_numbers<[1], [0], [0], [1], [0, 0, 1, 1], [], []>, transpose_lhs_hint = false} : vector<40x16xf32>, vector<16x16xf32>, vector<40x16xf32> -> vector<40x16xf32>
    %mul3A_173 = arith.mulf %dot_general3A_172, %get3A_4 : vector<40x16xf32>
    %reduce_sum3A_174 = arith.constant dense<0.000000e+00> : vector<40xf32>
    %reduce_sum3A_175 = vector.multi_reduction <add>, %mul3A_173, %reduce_sum3A_174 [1] : vector<40x16xf32> to vector<40xf32>
    %broadcast_in_dim3A_176 = vector.shape_cast %reduce_sum3A_175 : vector<40xf32> to vector<40x1xf32>
    %concatenate3A = tpu.concatenate %broadcast_in_dim3A, %broadcast_in_dim3A_22, %broadcast_in_dim3A_33, %broadcast_in_dim3A_44, %broadcast_in_dim3A_55, %broadcast_in_dim3A_66, %broadcast_in_dim3A_77, %broadcast_in_dim3A_88, %broadcast_in_dim3A_99, %broadcast_in_dim3A_110, %broadcast_in_dim3A_121, %broadcast_in_dim3A_132, %broadcast_in_dim3A_143, %broadcast_in_dim3A_154, %broadcast_in_dim3A_165, %broadcast_in_dim3A_176 in 1 : vector<40x1xf32>, vector<40x1xf32>, vector<40x1xf32>, vector<40x1xf32>, vector<40x1xf32>, vector<40x1xf32>, vector<40x1xf32>, vector<40x1xf32>, vector<40x1xf32>, vector<40x1xf32>, vector<40x1xf32>, vector<40x1xf32>, vector<40x1xf32>, vector<40x1xf32>, vector<40x1xf32>, vector<40x1xf32> -> vector<40x16xf32>
    %concatenate3A_177 = tpu.concatenate %get3A_1, %get3A_4 in 1 : vector<40x16xf32>, vector<40x16xf32> -> vector<40x32xf32>
    %get3A_178 = arith.constant 0 : index
    %get3A_179 = arith.constant 0 : index
    %get3A_180 = vector.load %arg3[%get3A_178, %get3A_179] : memref<32x16xf32, #tpu.memory_space<vmem>>, vector<32x16xf32>
    %dot_general3A_181 = arith.constant dense<0.000000e+00> : vector<40x16xf32>
    %dot_general3A_182 = tpu.matmul %concatenate3A_177, %get3A_180, %dot_general3A_181 {dimension_numbers = #tpu.dot_dimension_numbers<[1], [0], [0], [1], [0, 0, 1, 1], [], []>, transpose_lhs_hint = false} : vector<40x32xf32>, vector<32x16xf32>, vector<40x16xf32> -> vector<40x16xf32>
    %add3A = arith.addf %concatenate3A, %dot_general3A_182 : vector<40x16xf32>
    %get3A_183 = arith.constant 0 : index
    %get3A_184 = arith.constant 0 : index
    %get3A_185 = vector.load %arg4[%get3A_183, %get3A_184] : memref<1x16xf32, #tpu.memory_space<vmem>>, vector<1x16xf32>
    %add3A_186 = vector.broadcast %get3A_185 : vector<1x16xf32> to vector<40x16xf32>
    %add3A_187 = arith.addf %add3A, %add3A_186 : vector<40x16xf32>
    %max3A = arith.constant 0.000000e+00 : f32
    %max3A_188 = vector.broadcast %max3A : f32 to vector<40x16xf32>
    %max3A_189 = arith.maximumf %add3A_187, %max3A_188 : vector<40x16xf32>
    %get3A_190 = arith.constant 0 : index
    %get3A_191 = arith.constant 0 : index
    %get3A_192 = vector.load %arg5[%get3A_190, %get3A_191] : memref<16x16xf32, #tpu.memory_space<vmem>>, vector<16x16xf32>
    %dot_general3A_193 = arith.constant dense<0.000000e+00> : vector<40x16xf32>
    %dot_general3A_194 = tpu.matmul %max3A_189, %get3A_192, %dot_general3A_193 {dimension_numbers = #tpu.dot_dimension_numbers<[1], [0], [0], [1], [0, 0, 1, 1], [], []>, transpose_lhs_hint = false} : vector<40x16xf32>, vector<16x16xf32>, vector<40x16xf32> -> vector<40x16xf32>
    %get3A_195 = arith.constant 0 : index
    %get3A_196 = arith.constant 0 : index
    %get3A_197 = vector.load %arg6[%get3A_195, %get3A_196] : memref<1x16xf32, #tpu.memory_space<vmem>>, vector<1x16xf32>
    %add3A_198 = vector.broadcast %get3A_197 : vector<1x16xf32> to vector<40x16xf32>
    %add3A_199 = arith.addf %dot_general3A_194, %add3A_198 : vector<40x16xf32>
    %max3A_200 = arith.constant 0.000000e+00 : f32
    %max3A_201 = vector.broadcast %max3A_200 : f32 to vector<40x16xf32>
    %max3A_202 = arith.maximumf %add3A_199, %max3A_201 : vector<40x16xf32>
    %get3A_203 = arith.constant 0 : index
    %get3A_204 = arith.constant 0 : index
    %get3A_205 = vector.load %arg7[%get3A_203, %get3A_204] : memref<1x16xf32, #tpu.memory_space<vmem>>, vector<1x16xf32>
    %mul3A_206 = vector.broadcast %get3A_205 : vector<1x16xf32> to vector<40x16xf32>
    %mul3A_207 = arith.mulf %max3A_202, %mul3A_206 : vector<40x16xf32>
    %reduce_sum3A_208 = arith.constant dense<0.000000e+00> : vector<40xf32>
    %reduce_sum3A_209 = vector.multi_reduction <add>, %mul3A_207, %reduce_sum3A_208 [1] : vector<40x16xf32> to vector<40xf32>
    %broadcast_in_dim3A_210 = vector.shape_cast %reduce_sum3A_209 : vector<40xf32> to vector<40x1xf32>
    %get3A_211 = arith.constant 0 : index
    %get3A_212 = arith.constant 0 : index
    %get3A_213 = vector.load %arg8[%get3A_211, %get3A_212] : memref<1x1xf32, #tpu.memory_space<vmem>>, vector<1x1xf32>
    %add3A_214 = vector.broadcast %get3A_213 : vector<1x1xf32> to vector<40x1xf32>
    %add3A_215 = arith.addf %broadcast_in_dim3A_210, %add3A_214 : vector<40x1xf32>
    %neg3A = arith.constant 0.000000e+00 : f32
    %neg3A_216 = vector.broadcast %neg3A : f32 to vector<40x1xf32>
    %neg3A_217 = arith.subf %neg3A_216, %add3A_215 : vector<40x1xf32>
    %exp3A = math.exp %neg3A_217 : vector<40x1xf32>
    %add3A_218 = arith.constant 1.000000e+00 : f32
    %add3A_219 = vector.broadcast %add3A_218 : f32 to vector<40x1xf32>
    %add3A_220 = arith.addf %add3A_219, %exp3A : vector<40x1xf32>
    %div3A = arith.constant 1.000000e+00 : f32
    %div3A_221 = vector.broadcast %div3A : f32 to vector<40x1xf32>
    %div3A_222 = arith.divf %div3A_221, %add3A_220 : vector<40x1xf32>
    %swap3A = arith.constant 0 : index
    %swap3A_223 = arith.constant 0 : index
    %swap3A_224 = vector.load %arg9[%swap3A, %swap3A_223] : memref<40x1xf32, #tpu.memory_space<vmem>>, vector<40x1xf32>
    tpu.vector_store %arg9[%swap3A, %swap3A_223], %div3A_222 {strides = array<i32>} : memref<40x1xf32, #tpu.memory_space<vmem>>, vector<40x1xf32>,
    return
  }
}

</mosaic_0001>

<sc_bundles>
// kernel: kernel.6.cloned.1.call-start
scs
__scs_entry_jumppad:
0x0: {  	(pc) =	sbr.rel $0x88, $3  }
0x1: {  	(tag) =	ssettag $0x0;
	lr =	simm.s32 $0x1  }
0x2: {  	[smem:$0x3F8F] =	sst lr;
	_ =	strace $0xD0000000  }
0x3: {  	_ = 	snop  }
0x4: {  	_ = 	snop  }
0x5: {  	_ = 	snop  }
0x6: {  	_ = 	snop  }
0x7: {  	_ = 	snop  }
__scs_overlays_trampoline_lowered:
0x8: {  	[smem:$0x3F9E] =	sst s0  }
0x9: {  	[smem:$0x3F9F] =	sst s1  }
0xa: {  	[smem:$0x3FA0] =	sst s2  }
0xb: {  	[smem:$0x3FA1] =	sst s3  }
0xc: {  	[smem:$0x3FA2] =	sst s4  }
0xd: {  	[smem:$0x3FA3] =	sst s5  }
0xe: {  	[smem:$0x3FA4] =	sst s6  }
0xf: {  	[smem:$0x3FA5] =	sst s7  }
0x10: {  	[smem:$0x3FA6] =	sst s8  }
0x11: {  	[smem:$0x3FA7] =	sst s9;
	s0 =	simm.s32 @!p0 $0x0  }
0x12: {  	s1 =	sld [smem:$0x3F8D];
	s0 =	simm.s32 @p0 $0x1  }
0x13: {  	[smem:$0x3FA8] =	sst s0;
	s0 =	simm.s32 @!p1 $0x0  }
0x14: {  	s2 =	sld [smem:$0x3F8C];
	s0 =	simm.s32 @p1 $0x1  }
0x15: {  	[smem:$0x3FA9] =	sst s0;
	s0 =	simm.s32 @!p2 $0x0  }
0x16: {  	s3 =	sld [smem:$0x3FDB];
	s0 =	simm.s32 @p2 $0x1  }
0x17: {  	s4 =	simm.s32 $0x1BF5;
	[smem:$0x3FAB] =	sst s0  }
0x18: {  	s0 =	sld [smem:$0x3F8E];
	_ =	swait.ge [sflag:s4], $0x0  }
0x19: {  	s7 =	sld [smem:$0x3F8F]  }
0x1a: {  	s8 =	sadd.s32 $0xFFFFE003, lr  }
0x1b: {  	s9 =	sadd.s32 $0xFFFFFEF7, lr;
	s5 =	simm.s32 $0xFFFFFFFF;
	p2 =	slt.u32 s8, $0xFFFFF086  }
0x1c: {  	p1 =	slt.u32 s9, $0xF7A;
	s5 =	simm.s32 @!p2 $0x0  }
0x1d: {  	s5 =	simm.s32 @p1 $0x1;
	p0 =	seq.s32 s7, s2  }
0x1e: {  	s7 =	smul.u32 @!p0 $0xF7A, s2;
	p2 =	seq.s32 @!p0 s5, $0x0  }
0x1f: {  	s9 =	smul.u32 $0xF7A, s1;
	s8 =	simm.s32 @!p0 $0x1BF5;
	p2 =	por !p2, p0  }
0x20: {  	[sflag:s8] =	ssyncset.s32 @!p0 $0xFFFFF086;
	s6 =	sadd.s32 @!p0 s3, s7;
	s7 =	simm.s32 @!p0 $0x108  }
0x21: {  	s3 =	sadd.s32 s3, s9;
	s6 =	sadd.s32 @!p0 $0x88, s6;
	s7 =	simm.s32 @p2 $0x1082  }
0x22: {  	[simem:s7], [sflag:s8] =	dma.local @!p0 [hbm:s6], $0xF7A  }
0x23: {  	s9 =	sor.u32 $0xD0000000, s2;
	s6 =	simm.s32 $0x108;
	_ =	swait.ge @!p0 [sflag:s8], $0x0  }
0x24: {  	s3 =	sadd.s32 $0x88, s3;
	s6 =	simm.s32 @!p1 $0x1082;
	[sflag:s4] =	ssyncset.s32 $0xFFFFF086  }
0x25: {  	[simem:s6], [sflag:s4] =	dma.local [hbm:s3], $0xF7A  }
0x26: {  	[smem:$0x3F8F] =	sst s1;
	(tag) =	ssettag s2;
	_ =	strace s9  }
0x27: {  	s1 =	sld [smem:$0x3F9F]  }
0x28: {  	s2 =	sld [smem:$0x3FA0]  }
0x29: {  	s4 =	sld [smem:$0x3FA2]  }
0x2a: {  	p0 =	seq.s32 s5, $0x0;
	s5 =	sld [smem:$0x3FA3]  }
0x2b: {  	s6 =	sld [smem:$0x3FA4]  }
0x2c: {  	s7 =	sld [smem:$0x3FA5]  }
0x2d: {  	s3 =	simm.s32 $0x108;
	s8 =	sld [smem:$0x3FA6]  }
0x2e: {  	s3 =	simm.s32 @!p0 $0x1082;
	s9 =	sld [smem:$0x3FA7]  }
0x2f: {  	lr =	sadd.s32 s0, s3;
	s0 =	sld [smem:$0x3F9E]  }
0x30: {  	s3 =	sld [smem:$0x3FA1]  }
0x31: {  	[smem:$0x3FAA] =	sst s10  }
0x32: {  	s10 =	sld [smem:$0x3FA8];
	_ =	sdelay $0x3  }
0x33: {  	p0 =	seq.s32 s10, $0x1;
	s10 =	sld [smem:$0x3FAA];
	_ =	sdelay $0x3  }
0x34: {  	[smem:$0x3FAA] =	sst s10  }
0x35: {  	s10 =	sld [smem:$0x3FA9];
	_ =	sdelay $0x3  }
0x36: {  	p1 =	seq.s32 s10, $0x1;
	s10 =	sld [smem:$0x3FAA];
	_ =	sdelay $0x3  }
0x37: {  	[smem:$0x3FAA] =	sst s10  }
0x38: {  	s10 =	sld [smem:$0x3FAB]  }
0x39: {  	_ = 	snop;
	(pc) =	sbr.ind lr, $3  }
0x3a: {  	_ = 	snop  }
0x3b: {  	_ = 	snop  }
0x3c: {  	p2 =	seq.s32 s10, $0x1;
	s10 =	sld [smem:$0x3FAA]  }
0x3d: {  	_ =	shalt  }
0x3e: {  	_ =	shalt  }
0x3f: {  	_ =	shalt  }
0x40: {  	_ =	shalt  }
0x41: {  	_ =	shalt  }
0x42: {  	_ =	shalt  }
0x43: {  	_ =	shalt  }
0x44: {  	_ =	shalt  }
0x45: {  	_ =	shalt  }
0x46: {  	_ =	shalt  }
0x47: {  	_ =	shalt  }
0x48: {  	_ =	shalt  }
0x49: {  	_ =	shalt  }
0x4a: {  	_ =	shalt  }
0x4b: {  	_ =	shalt  }
0x4c: {  	_ =	shalt  }
0x4d: {  	_ =	shalt  }
0x4e: {  	_ =	shalt  }
0x4f: {  	_ =	shalt  }
0x50: {  	_ =	shalt  }
0x51: {  	_ =	shalt  }
0x52: {  	_ =	shalt  }
0x53: {  	_ =	shalt  }
0x54: {  	_ =	shalt  }
0x55: {  	_ =	shalt  }
0x56: {  	_ =	shalt  }
0x57: {  	_ =	shalt  }
0x58: {  	_ =	shalt  }
0x59: {  	_ =	shalt  }
0x5a: {  	_ =	shalt  }
0x5b: {  	_ =	shalt  }
0x5c: {  	_ =	shalt  }
0x5d: {  	_ =	shalt  }
0x5e: {  	_ =	shalt  }
0x5f: {  	_ =	shalt  }
0x60: {  	_ =	shalt  }
0x61: {  	_ =	shalt  }
0x62: {  	_ =	shalt  }
0x63: {  	_ =	shalt  }
0x64: {  	_ =	shalt  }
0x65: {  	_ =	shalt  }
0x66: {  	_ =	shalt  }
0x67: {  	_ =	shalt  }
0x68: {  	_ =	shalt  }
0x69: {  	_ =	shalt  }
0x6a: {  	_ =	shalt  }
0x6b: {  	_ =	shalt  }
0x6c: {  	_ =	shalt  }
0x6d: {  	_ =	shalt  }
0x6e: {  	_ =	shalt  }
0x6f: {  	_ =	shalt  }
0x70: {  	_ =	shalt  }
0x71: {  	_ =	shalt  }
0x72: {  	_ =	shalt  }
0x73: {  	_ =	shalt  }
0x74: {  	_ =	shalt  }
0x75: {  	_ =	shalt  }
0x76: {  	_ =	shalt  }
0x77: {  	_ =	shalt  }
0x78: {  	_ =	shalt  }
0x79: {  	_ =	shalt  }
0x7a: {  	_ =	shalt  }
0x7b: {  	_ =	shalt  }
0x7c: {  	_ =	shalt  }
0x7d: {  	_ =	shalt  }
0x7e: {  	_ =	shalt  }
0x7f: {  	_ =	shalt  }
0x80: {  	_ =	shalt  }
0x81: {  	_ =	shalt  }
0x82: {  	_ =	shalt  }
0x83: {  	_ =	shalt  }
0x84: {  	_ =	shalt  }
0x85: {  	_ =	shalt  }
0x86: {  	_ =	shalt  }
0x87: {  	_ =	shalt  }
.Lfunc_end0:
.L_simem_size_0:
called_computation_lowered:
.L_overlay_start_0:
0x88: {  	s2 =	sld [smem:$0x3FD9]  }
0x89: {  	s3 =	sld [smem:$0x3FFE];
	_ =	sdelay $0x1  }
0x8a: {  	s1 =	srdreg.scid  }
0x8b: {  	s0 =	sand.u32 $0x1, s1  }
0x8c: {  	s16 =	sshll.u32 s0, $0xA;
	s2 =	sadd.s32 s3, s2  }
0x8d: {  	s2 =	sadd.s32 s2, s16  }
0x8e: {  	[smem:$0x3FB6] =	sst s2  }
0x8f: {  	_ = 	snop  }
0x90: {  	(tm) =	ssettm $0x1  }
0x91: {  	s17 =	sld [smem:$0x3FFB];
	_ =	sdelay $0x3  }
0x92: {  	_ =	strace s17  }
0x93: {  	s2 =	sld [smem:$0x3FFC];
	_ =	sdelay $0x3  }
0x94: {  	_ =	strace s2  }
0x95: {  	s2 =	sld [smem:$0x3FFD];
	_ =	sdelay $0x3  }
0x96: {  	_ =	strace s2  }
0x97: {  	_ =	strace $0x8FFFFFFF  }
0x98: {  	s18 =	sld [smem:$0x3FDB];
	_ =	sdelay $0x1  }
0x99: {  	s19 =	simm.s32 $_scs_section_size  }
0x9a: {  	s4 =	simm.s32 $_size__tile_overlayer_lowered;
	s5 =	simm.s32 $_tile_overlayer_lowered  }
0x9b: {  	s22 =	simm.s32 $0x1BFF;
	s21 =	sshll.u32 s5, $0x1;
	s2 =	sadd.s32 s19, s18  }
0x9c: {  	s6 =	simm.s32 $0x0;
	s20 =	sshll.u32 s4, $0x1;
	s4 =	sadd.s32 s21, s2  }
0x9d: {  	[timem:s6], [sflag:s22] =	dma.local [hbm:s4], s20  }
0x9e: {  	_ =	swait.ge [sflag:s22], s20  }
0x9f: {  	s3 =	ssub.s32 $0x0, s20;
	[sflag:s22] =	ssyncset.done $0x0  }
0xa0: {  	[sflag:s22] =	ssyncadd.s32 s3;
	_ =	sdelay $0x1  }
0xa1: {  	s23 =	simm.s32 $0x1B8B  }
0xa2: {  	_ =	swait.ge [sflag:s23], $0x1  }
0xa3: {  	[sflag:s23] =	ssyncset.done $0x0  }
0xa4: {  	s25 =	simm.s32 $0x1B8E;
	s24 =	sld [smem:$0x3FFE];
	[sflag:s23] =	ssyncadd.s32 $0xFFFFFFFF  }
0xa5: {  	s26 =	simm.s32 $execute0_lowered;
	[smem:$0x3FD2] =	sst s25  }
0xa6: {  	s4 =	sshll.u32 s26, $0x1;
	_ =	strace $0x80000046;
	[dreg:$0x1] =	wrdreg $0xFFFFFFFF  }
0xa7: {  	s28 =	simm.s32 $_size_execute0_lowered;
	s2 =	sadd.s32 s2, s4;
	[dreg:$0x0] =	wrdreg $0x0  }
0xa8: {  	s4 =	sshll.u32 s28, $0x1;
	[dreg:$0x2] =	wrdreg s2  }
0xa9: {  	[dreg:$0x3] =	wrdreg s4  }
0xaa: {  	[dreg:$0x4] =	wrdreg $0xC0  }
0xab: {  	_ =	task [dreg:s6], $0x5FFFF  }
0xac: {  	[dreg:$0x1] =	wrdreg $0xFFFFFFFF  }
0xad: {  	[dreg:$0x0] =	wrdreg $0x60  }
0xae: {  	[dreg:$0x2] =	wrdreg s24  }
0xaf: {  	[dreg:$0x3] =	wrdreg $0x9  }
0xb0: {  	_ =	task.clear_ibuf [dreg:s6], $0x4FFFF;
	_ =	strace $0x90000046  }
0xb1: {  	s29 =	simm.s32 $0x9;
	_ =	strace $0x80000048  }
0xb2: {  	_ =	swait.ge [sflag:s29], $0x1  }
0xb3: {  	[sflag:s29] =	ssyncadd.s32 $0xFFFFFFFF  }
0xb4: {  	_ =	strace $0x90000048  }
0xb5: {  	_ =	sfence  }
0xb6: {  	s30 =	sld [smem:$0x0];
	_ =	sdelay $0x2  }
0xb7: {  	s31 =	sshll.u32 s1, $0xD;
	s1 =	sshrl.u32 s1, $0x2  }
0xb8: {  	s3 =	sand.u32 $0x4000, s31;
	s1 =	sadd.s32 s1, s30  }
0xb9: {  	s0 =	sor.u32 s3, s0;
	s1 =	sshll.u32 s1, $0x11  }
0xba: {  	s0 =	sor.u32 s1, s0  }
0xbb: {  	s0 =	sadd.s32 $0x8F2B, s0  }
0xbc: {  	[sflag:s0] =	ssyncadd.remote.s32 $0x1  }
0xbd: {  	_ =	sfence.sel $0xFFFF  }
0xbe: {  	[dreg:$0x0] =	wrdreg $0xFFFFFFFF;
	(pc) =	sbr.abs _section_cstart, $3  }
0xbf: {  	[dreg:$0x1] =	wrdreg $0xFFFFFFFF  }
0xc0: {  	_ =	task.clear_ibuf [dreg:s6], $0x2FFFF;
	_ =	strace $0x9FFFFFFF  }
0xc1: {  	(tm) =	ssettm $0x7FFFFFFF  }
tec
execute0_lowered:
.L_overlay_start_1:
0x0: {  	(tag) =	ssettag $0x1  }
0x1: {  	s1 =	srdreg.scid  }
0x2: {  	s0 =	stileid.u32;
	s5 =	rddreg [dreg:$0x0]  }
0x3: {  	s2 =	simm.s32 $0x0;
	s3 =	sand.u32 $0x1, s1;
	s4 =	sshll.u32 s0, $0x1  }
0x4: {  	s9 =	simm.s32 $0x18000;
	s10 =	simm.s32 $0x1;
	s4 =	sor.u32 s3, s4  }
0x5: {  	s12 =	simm.s32 $0x3;
	[smem:$0x7FF] =	sst s2;
	s11 =	smul.u32 $0x13180, s4  }
0x6: {  	s13 =	simm.s32 $0x0;
	s1 =	rddreg [dreg:$0x1];
	_ =	strace $0x80000047  }
0x7: {  	s6 =	ssub.s32 $0x2, s3;
	s3 =	sadd.s32 $0x2000, s5;
	s7 =	sshrl.u32 s11, $0x3  }
0x8: {  	s8 =	sshrl.u32 s6, $0x1;
	s4 =	sadd.s32 $0xBE00, s5;
	s7 =	sadd.s32 s7, s5  }
0x9: {  	s8 =	ssub.s32 s6, s8;
	v0 =	vmov s11;
	s11 =	simm.s32 $0x2;
	s5 =	sadd.s32 $0x15C00, s7  }
0xa: {  	v1 =	vimm.f32 $0.0e+00;
	v2 =	vimm.f32 $1.000000000e+00;
	s6 =	sadd.s32 $0x62200, s7;
	s7 =	smax.u32 s8, $0x1;
	s8 =	simm.s32 $0x13180  }
.LBB2_1:
0xb: {  	s14 =	simm.s32 $0x0;
	s15 =	simm.s32 $0x200  }
.LBB2_2:
0xc: {  	p0 =	sne.s32 s15, $0x4C400;
	[tilespmem:s14+$0x70] =	vst v1  }
0xd: {  	[tilespmem:s14+$0x0] =	vst v1  }
0xe: {  	[tilespmem:s14+$0x10] =	vst v1  }
.Ltmp0:
0xf: {  	[tilespmem:s14+$0x20] =	vst v1;
	(pc) =	sbr.rel @p0 .LBB2_2-.Ltmp0, $4  }
0x10: {  	[tilespmem:s14+$0x30] =	vst v1  }
0x11: {  	[tilespmem:s14+$0x40] =	vst v1  }
0x12: {  	[tilespmem:s14+$0x50] =	vst v1  }
0x13: {  	[tilespmem:s14+$0x60] =	vst v1;
	s14 =	sshra.s32 s15, $0x2;
	s15 =	sadd.s32 $0x200, s15  }
0x14: {  	[tilespmem:s14+$0x70] =	vst v1  }
0x15: {  	[tilespmem:s14+$0x0] =	vst v1  }
0x16: {  	[tilespmem:s14+$0x10] =	vst v1  }
0x17: {  	[tilespmem:s14+$0x20] =	vst v1  }
0x18: {  	[tilespmem:s14+$0x30] =	vst v1  }
0x19: {  	[tilespmem:s14+$0x40] =	vst v1  }
0x1a: {  	[tilespmem:s14+$0x50] =	vst v1  }
0x1b: {  	[tilespmem:s14+$0x60] =	vst v1;
	s14 =	simm.s32 $0x0;
	s15 =	simm.s32 $0x0  }
0x1c: {  	[tilespmem:s8], [sflag:$0x1] =	stream.linear.gather [hbm4b:s3+s14], $0x4E20, $0x38;
	[tilespmem:$0x1CE80] =	vst v63  }
.LBB2_4:
0x1d: {  	s16 =	smul.u32 $0x9C40, s15;
	_ =	sdelay $0x1  }
0x1e: {  	s17 =	sshrl.u32 s16, $0x3  }
0x1f: {  	s17 =	sadd.s32 s3, s17  }
0x20: {  	s17 =	sadd.s32 $0x9C4, s17  }
0x21: {  	[tilespmem:s9], [sflag:$0x2] =	stream.linear.gather [hbm4b:s17+s14], $0x4E20, $0x38;
	[tilespmem:$0x1CE80] =	vst v63  }
0x22: {  	_ =	swait.ge [sflag:s10], $0x4E20  }
0x23: {  	[sflag:s10] =	ssyncset.done $0x0  }
0x24: {  	s18 =	simm.s32 $0x0;
	s17 =	simm.s32 $0x131D0;
	[sflag:s10] =	ssyncadd.s32 $0xFFFFB1E0  }
.LBB2_5:
0x25: {  	v3 =	vld [tilespmem:s17+$0xFFFFFFB0];
	_ =	sdelay $0x4  }
0x26: {  	v4 =	vsub.s32 v3, v0  }
0x27: {  	v3 =	vand.u32 $0x7F, v3;
	vm0 =	vlt.u32 v4, $0x13180;
	v4 =	vand.u32 $0xFFFFFF80, v4  }
0x28: {  	v3 =	vor.u32 v3, v4;
	_ =	sdelay $0x4  }
0x29: {  	[tilespmem:v3+s2+$0x0] =	vst.idx.add.f32.msk vm0, v2  }
0x2a: {  	v3 =	vld [tilespmem:s17+$0xFFFFFFC0];
	_ =	sdelay $0x4  }
0x2b: {  	v55 =	vsub.s32 v3, v0  }
0x2c: {  	v3 =	vand.u32 $0x7F, v3;
	vm7 =	vlt.u32 v55, $0x13180;
	v4 =	vand.u32 $0xFFFFFF80, v55  }
0x2d: {  	v3 =	vor.u32 v3, v4;
	_ =	sdelay $0x4  }
0x2e: {  	[tilespmem:v3+s2+$0x0] =	vst.idx.add.f32.msk vm7, v2  }
0x2f: {  	v3 =	vld [tilespmem:s17+$0xFFFFFFD0];
	_ =	sdelay $0x4  }
0x30: {  	v56 =	vsub.s32 v3, v0  }
0x31: {  	v3 =	vand.u32 $0x7F, v3;
	vm8 =	vlt.u32 v56, $0x13180;
	v4 =	vand.u32 $0xFFFFFF80, v56  }
0x32: {  	v3 =	vor.u32 v3, v4;
	_ =	sdelay $0x4  }
0x33: {  	[tilespmem:v3+s2+$0x0] =	vst.idx.add.f32.msk vm8, v2  }
0x34: {  	v3 =	vld [tilespmem:s17+$0xFFFFFFE0];
	_ =	sdelay $0x4  }
0x35: {  	v57 =	vsub.s32 v3, v0  }
0x36: {  	v3 =	vand.u32 $0x7F, v3;
	vm9 =	vlt.u32 v57, $0x13180;
	v4 =	vand.u32 $0xFFFFFF80, v57  }
0x37: {  	v3 =	vor.u32 v3, v4;
	_ =	sdelay $0x4  }
0x38: {  	[tilespmem:v3+s2+$0x0] =	vst.idx.add.f32.msk vm9, v2  }
0x39: {  	v3 =	vld [tilespmem:s17+$0xFFFFFFF0];
	_ =	sdelay $0x4  }
0x3a: {  	v58 =	vsub.s32 v3, v0  }
0x3b: {  	v3 =	vand.u32 $0x7F, v3;
	vm10 =	vlt.u32 v58, $0x13180;
	v4 =	vand.u32 $0xFFFFFF80, v58  }
0x3c: {  	v3 =	vor.u32 v3, v4;
	_ =	sdelay $0x4  }
0x3d: {  	[tilespmem:v3+s2+$0x0] =	vst.idx.add.f32.msk vm10, v2  }
0x3e: {  	v3 =	vld [tilespmem:s17+$0x0];
	_ =	sdelay $0x4  }
0x3f: {  	v59 =	vsub.s32 v3, v0  }
0x40: {  	v3 =	vand.u32 $0x7F, v3;
	vm11 =	vlt.u32 v59, $0x13180;
	v4 =	vand.u32 $0xFFFFFF80, v59  }
0x41: {  	v3 =	vor.u32 v3, v4;
	_ =	sdelay $0x4  }
0x42: {  	[tilespmem:v3+s2+$0x0] =	vst.idx.add.f32.msk vm11, v2  }
0x43: {  	v3 =	vld [tilespmem:s17+$0x10];
	_ =	sdelay $0x4  }
0x44: {  	v60 =	vsub.s32 v3, v0  }
0x45: {  	v3 =	vand.u32 $0x7F, v3;
	vm12 =	vlt.u32 v60, $0x13180;
	v4 =	vand.u32 $0xFFFFFF80, v60  }
0x46: {  	v3 =	vor.u32 v3, v4;
	_ =	sdelay $0x4  }
0x47: {  	[tilespmem:v3+s2+$0x0] =	vst.idx.add.f32.msk vm12, v2  }
0x48: {  	v3 =	vld [tilespmem:s17+$0x20];
	_ =	sdelay $0x4  }
0x49: {  	v61 =	vsub.s32 v3, v0  }
0x4a: {  	v3 =	vand.u32 $0x7F, v3;
	vm13 =	vlt.u32 v61, $0x13180;
	v4 =	vand.u32 $0xFFFFFF80, v61  }
0x4b: {  	v3 =	vor.u32 v3, v4;
	_ =	sdelay $0x4  }
0x4c: {  	s19 =	sand.u32 $0x7FE0, s18;
	[tilespmem:v3+s2+$0x0] =	vst.idx.add.f32.msk vm13, v2  }
0x4d: {  	v3 =	vld [tilespmem:s19+$0x13200];
	_ =	sdelay $0x4  }
0x4e: {  	v62 =	vsub.s32 v3, v0  }
0x4f: {  	v3 =	vand.u32 $0x7F, v3;
	vm14 =	vlt.u32 v62, $0x13180;
	v4 =	vand.u32 $0xFFFFFF80, v62  }
0x50: {  	v3 =	vor.u32 v3, v4;
	_ =	sdelay $0x4  }
0x51: {  	[tilespmem:v3+s2+$0x0] =	vst.idx.add.f32.msk vm14, v2  }
0x52: {  	v3 =	vld [tilespmem:s17+$0x40];
	_ =	sdelay $0x4  }
0x53: {  	v63 =	vsub.s32 v3, v0  }
0x54: {  	v3 =	vand.u32 $0x7F, v3;
	vm15 =	vlt.u32 v63, $0x13180;
	v4 =	vand.u32 $0xFFFFFF80, v63  }
0x55: {  	p0 =	sne.s32 s18, $0x4D80;
	v3 =	vor.u32 v3, v4  }
.Ltmp1:
0x56: {  	_ = 	snop;
	(pc) =	sbr.rel @p0 .LBB2_5-.Ltmp1, $2  }
0x57: {  	_ =	sdelay $0x2  }
0x58: {  	s18 =	sadd.s32 $0xA0, s18;
	s17 =	sadd.s32 $0xA0, s17;
	[tilespmem:v3+s2+$0x0] =	vst.idx.add.f32.msk vm15, v2  }
0x59: {  	p0 =	seq.s32 s15, $0x7  }
0x5a: {  	s16 =	sshrl.u32 @!p0 s16, $0x3  }
0x5b: {  	s16 =	sadd.s32 @!p0 s3, s16  }
0x5c: {  	s17 =	simm.s32 @!p0 $0x0;
	s18 =	simm.s32 @!p0 $0x13180;
	s16 =	sadd.s32 @!p0 $0x1388, s16  }
0x5d: {  	[tilespmem:s18], [sflag:$0x1] =	stream.linear.gather @!p0 [hbm4b:s16+s17], $0x4E20, $0x38;
	[tilespmem:$0x1CE80] =	vst v63  }
0x5e: {  	_ =	swait.ge [sflag:s11], $0x4E20  }
0x5f: {  	[sflag:s11] =	ssyncset.done $0x0  }
0x60: {  	s16 =	simm.s32 $0x0;
	s17 =	simm.s32 $0x18050;
	[sflag:s11] =	ssyncadd.s32 $0xFFFFB1E0  }
.LBB2_7:
0x61: {  	v3 =	vld [tilespmem:s17+$0xFFFFFFB0];
	_ =	sdelay $0x4  }
0x62: {  	v4 =	vsub.s32 v3, v0  }
0x63: {  	v3 =	vand.u32 $0x7F, v3;
	vm0 =	vlt.u32 v4, $0x13180;
	v4 =	vand.u32 $0xFFFFFF80, v4  }
0x64: {  	v3 =	vor.u32 v3, v4;
	_ =	sdelay $0x4  }
0x65: {  	[tilespmem:v3+s2+$0x0] =	vst.idx.add.f32.msk vm0, v2  }
0x66: {  	v3 =	vld [tilespmem:s17+$0xFFFFFFC0];
	_ =	sdelay $0x4  }
0x67: {  	v55 =	vsub.s32 v3, v0  }
0x68: {  	v3 =	vand.u32 $0x7F, v3;
	vm7 =	vlt.u32 v55, $0x13180;
	v4 =	vand.u32 $0xFFFFFF80, v55  }
0x69: {  	v3 =	vor.u32 v3, v4;
	_ =	sdelay $0x4  }
0x6a: {  	[tilespmem:v3+s2+$0x0] =	vst.idx.add.f32.msk vm7, v2  }
0x6b: {  	v3 =	vld [tilespmem:s17+$0xFFFFFFD0];
	_ =	sdelay $0x4  }
0x6c: {  	v56 =	vsub.s32 v3, v0  }
0x6d: {  	v3 =	vand.u32 $0x7F, v3;
	vm8 =	vlt.u32 v56, $0x13180;
	v4 =	vand.u32 $0xFFFFFF80, v56  }
0x6e: {  	v3 =	vor.u32 v3, v4;
	_ =	sdelay $0x4  }
0x6f: {  	[tilespmem:v3+s2+$0x0] =	vst.idx.add.f32.msk vm8, v2  }
0x70: {  	v3 =	vld [tilespmem:s17+$0xFFFFFFE0];
	_ =	sdelay $0x4  }
0x71: {  	v57 =	vsub.s32 v3, v0  }
0x72: {  	v3 =	vand.u32 $0x7F, v3;
	vm9 =	vlt.u32 v57, $0x13180;
	v4 =	vand.u32 $0xFFFFFF80, v57  }
0x73: {  	v3 =	vor.u32 v3, v4;
	_ =	sdelay $0x4  }
0x74: {  	[tilespmem:v3+s2+$0x0] =	vst.idx.add.f32.msk vm9, v2  }
0x75: {  	v3 =	vld [tilespmem:s17+$0xFFFFFFF0];
	_ =	sdelay $0x4  }
0x76: {  	v58 =	vsub.s32 v3, v0  }
0x77: {  	v3 =	vand.u32 $0x7F, v3;
	vm10 =	vlt.u32 v58, $0x13180;
	v4 =	vand.u32 $0xFFFFFF80, v58  }
0x78: {  	v3 =	vor.u32 v3, v4;
	_ =	sdelay $0x4  }
0x79: {  	[tilespmem:v3+s2+$0x0] =	vst.idx.add.f32.msk vm10, v2  }
0x7a: {  	v3 =	vld [tilespmem:s17+$0x0];
	_ =	sdelay $0x4  }
0x7b: {  	v59 =	vsub.s32 v3, v0  }
0x7c: {  	v3 =	vand.u32 $0x7F, v3;
	vm11 =	vlt.u32 v59, $0x13180;
	v4 =	vand.u32 $0xFFFFFF80, v59  }
0x7d: {  	v3 =	vor.u32 v3, v4;
	_ =	sdelay $0x4  }
0x7e: {  	[tilespmem:v3+s2+$0x0] =	vst.idx.add.f32.msk vm11, v2  }
0x7f: {  	v3 =	vld [tilespmem:s17+$0x10];
	_ =	sdelay $0x4  }
0x80: {  	v60 =	vsub.s32 v3, v0  }
0x81: {  	v3 =	vand.u32 $0x7F, v3;
	vm12 =	vlt.u32 v60, $0x13180;
	v4 =	vand.u32 $0xFFFFFF80, v60  }
0x82: {  	v3 =	vor.u32 v3, v4;
	_ =	sdelay $0x4  }
0x83: {  	[tilespmem:v3+s2+$0x0] =	vst.idx.add.f32.msk vm12, v2  }
0x84: {  	v3 =	vld [tilespmem:s17+$0x20];
	_ =	sdelay $0x4  }
0x85: {  	v61 =	vsub.s32 v3, v0  }
0x86: {  	v3 =	vand.u32 $0x7F, v3;
	vm13 =	vlt.u32 v61, $0x13180;
	v4 =	vand.u32 $0xFFFFFF80, v61  }
0x87: {  	v3 =	vor.u32 v3, v4;
	_ =	sdelay $0x4  }
0x88: {  	s18 =	sand.u32 $0x7FE0, s16;
	[tilespmem:v3+s2+$0x0] =	vst.idx.add.f32.msk vm13, v2  }
0x89: {  	v3 =	vld [tilespmem:s18+$0x18080];
	_ =	sdelay $0x4  }
0x8a: {  	v62 =	vsub.s32 v3, v0  }
0x8b: {  	v3 =	vand.u32 $0x7F, v3;
	vm14 =	vlt.u32 v62, $0x13180;
	v4 =	vand.u32 $0xFFFFFF80, v62  }
0x8c: {  	v3 =	vor.u32 v3, v4;
	_ =	sdelay $0x4  }
0x8d: {  	[tilespmem:v3+s2+$0x0] =	vst.idx.add.f32.msk vm14, v2  }
0x8e: {  	v3 =	vld [tilespmem:s17+$0x40];
	_ =	sdelay $0x4  }
0x8f: {  	v63 =	vsub.s32 v3, v0  }
0x90: {  	v3 =	vand.u32 $0x7F, v3;
	vm15 =	vlt.u32 v63, $0x13180;
	v4 =	vand.u32 $0xFFFFFF80, v63  }
0x91: {  	p0 =	sne.s32 s16, $0x4D80;
	v3 =	vor.u32 v3, v4  }
.Ltmp2:
0x92: {  	_ = 	snop;
	(pc) =	sbr.rel @p0 .LBB2_7-.Ltmp2, $2  }
0x93: {  	_ =	sdelay $0x2  }
0x94: {  	s16 =	sadd.s32 $0xA0, s16;
	s17 =	sadd.s32 $0xA0, s17;
	[tilespmem:v3+s2+$0x0] =	vst.idx.add.f32.msk vm15, v2  }
0x95: {  	s15 =	sadd.s32 $0x1, s15  }
0x96: {  	p0 =	sne.s32 s15, $0x8  }
.Ltmp3:
0x97: {  	_ = 	snop;
	(pc) =	sbr.rel @p0 .LBB2_4-.Ltmp3, $1  }
0x98: {  	_ =	sdelay $0x3  }
0x99: {  	s14 =	simm.s32 $0x0  }
0x9a: {  	[hbm4b:s5+s14] =	stream.linear.scatter [tilespmem:s14], [sflag:$0x3], $0x13180, $0x38;
	[tilespmem:$0x1CE80] =	vst v63  }
0x9b: {  	_ =	swait.ge [sflag:s12], $0x13180  }
0x9c: {  	[sflag:s12] =	ssyncset.done $0x0  }
0x9d: {  	s15 =	simm.s32 $0x200;
	s14 =	simm.s32 $0x0;
	[sflag:s12] =	ssyncadd.s32 $0xFFFECE80  }
.LBB2_10:
0x9e: {  	p0 =	sne.s32 s15, $0x4C400;
	[tilespmem:s14+$0x70] =	vst v1  }
0x9f: {  	[tilespmem:s14+$0x0] =	vst v1  }
0xa0: {  	[tilespmem:s14+$0x10] =	vst v1  }
.Ltmp4:
0xa1: {  	[tilespmem:s14+$0x20] =	vst v1;
	(pc) =	sbr.rel @p0 .LBB2_10-.Ltmp4, $4  }
0xa2: {  	[tilespmem:s14+$0x30] =	vst v1  }
0xa3: {  	[tilespmem:s14+$0x40] =	vst v1  }
0xa4: {  	[tilespmem:s14+$0x50] =	vst v1  }
0xa5: {  	[tilespmem:s14+$0x60] =	vst v1;
	s14 =	sshra.s32 s15, $0x2;
	s15 =	sadd.s32 $0x200, s15  }
0xa6: {  	[tilespmem:s14+$0x70] =	vst v1  }
0xa7: {  	[tilespmem:s14+$0x0] =	vst v1  }
0xa8: {  	[tilespmem:s14+$0x10] =	vst v1  }
0xa9: {  	[tilespmem:s14+$0x20] =	vst v1  }
0xaa: {  	[tilespmem:s14+$0x30] =	vst v1  }
0xab: {  	[tilespmem:s14+$0x40] =	vst v1  }
0xac: {  	[tilespmem:s14+$0x50] =	vst v1  }
0xad: {  	[tilespmem:s14+$0x60] =	vst v1;
	s14 =	simm.s32 $0x0;
	s15 =	simm.s32 $0x0  }
0xae: {  	[tilespmem:s8], [sflag:$0x1] =	stream.linear.gather [hbm4b:s4+s14], $0x4E20, $0x38;
	[tilespmem:$0x1CE80] =	vst v63  }
.LBB2_12:
0xaf: {  	s16 =	smul.u32 $0x9C40, s15;
	_ =	sdelay $0x1  }
0xb0: {  	s17 =	sshrl.u32 s16, $0x3  }
0xb1: {  	s17 =	sadd.s32 s4, s17  }
0xb2: {  	s17 =	sadd.s32 $0x9C4, s17  }
0xb3: {  	[tilespmem:s9], [sflag:$0x2] =	stream.linear.gather [hbm4b:s17+s14], $0x4E20, $0x38;
	[tilespmem:$0x1CE80] =	vst v63  }
0xb4: {  	_ =	swait.ge [sflag:s10], $0x4E20  }
0xb5: {  	[sflag:s10] =	ssyncset.done $0x0  }
0xb6: {  	s18 =	simm.s32 $0x0;
	s17 =	simm.s32 $0x131D0;
	[sflag:s10] =	ssyncadd.s32 $0xFFFFB1E0  }
.LBB2_13:
0xb7: {  	v3 =	vld [tilespmem:s17+$0xFFFFFFB0];
	_ =	sdelay $0x4  }
0xb8: {  	v4 =	vsub.s32 v3, v0  }
0xb9: {  	v3 =	vand.u32 $0x7F, v3;
	vm0 =	vlt.u32 v4, $0x13180;
	v4 =	vand.u32 $0xFFFFFF80, v4  }
0xba: {  	v3 =	vor.u32 v3, v4;
	_ =	sdelay $0x4  }
0xbb: {  	[tilespmem:v3+s2+$0x0] =	vst.idx.add.f32.msk vm0, v2  }
0xbc: {  	v3 =	vld [tilespmem:s17+$0xFFFFFFC0];
	_ =	sdelay $0x4  }
0xbd: {  	v55 =	vsub.s32 v3, v0  }
0xbe: {  	v3 =	vand.u32 $0x7F, v3;
	vm7 =	vlt.u32 v55, $0x13180;
	v4 =	vand.u32 $0xFFFFFF80, v55  }
0xbf: {  	v3 =	vor.u32 v3, v4;
	_ =	sdelay $0x4  }
0xc0: {  	[tilespmem:v3+s2+$0x0] =	vst.idx.add.f32.msk vm7, v2  }
0xc1: {  	v3 =	vld [tilespmem:s17+$0xFFFFFFD0];
	_ =	sdelay $0x4  }
0xc2: {  	v56 =	vsub.s32 v3, v0  }
0xc3: {  	v3 =	vand.u32 $0x7F, v3;
	vm8 =	vlt.u32 v56, $0x13180;
	v4 =	vand.u32 $0xFFFFFF80, v56  }
0xc4: {  	v3 =	vor.u32 v3, v4;
	_ =	sdelay $0x4  }
0xc5: {  	[tilespmem:v3+s2+$0x0] =	vst.idx.add.f32.msk vm8, v2  }
0xc6: {  	v3 =	vld [tilespmem:s17+$0xFFFFFFE0];
	_ =	sdelay $0x4  }
0xc7: {  	v57 =	vsub.s32 v3, v0  }
0xc8: {  	v3 =	vand.u32 $0x7F, v3;
	vm9 =	vlt.u32 v57, $0x13180;
	v4 =	vand.u32 $0xFFFFFF80, v57  }
0xc9: {  	v3 =	vor.u32 v3, v4;
	_ =	sdelay $0x4  }
0xca: {  	[tilespmem:v3+s2+$0x0] =	vst.idx.add.f32.msk vm9, v2  }
0xcb: {  	v3 =	vld [tilespmem:s17+$0xFFFFFFF0];
	_ =	sdelay $0x4  }
0xcc: {  	v58 =	vsub.s32 v3, v0  }
0xcd: {  	v3 =	vand.u32 $0x7F, v3;
	vm10 =	vlt.u32 v58, $0x13180;
	v4 =	vand.u32 $0xFFFFFF80, v58  }
0xce: {  	v3 =	vor.u32 v3, v4;
	_ =	sdelay $0x4  }
0xcf: {  	[tilespmem:v3+s2+$0x0] =	vst.idx.add.f32.msk vm10, v2  }
0xd0: {  	v3 =	vld [tilespmem:s17+$0x0];
	_ =	sdelay $0x4  }
0xd1: {  	v59 =	vsub.s32 v3, v0  }
0xd2: {  	v3 =	vand.u32 $0x7F, v3;
	vm11 =	vlt.u32 v59, $0x13180;
	v4 =	vand.u32 $0xFFFFFF80, v59  }
0xd3: {  	v3 =	vor.u32 v3, v4;
	_ =	sdelay $0x4  }
0xd4: {  	[tilespmem:v3+s2+$0x0] =	vst.idx.add.f32.msk vm11, v2  }
0xd5: {  	v3 =	vld [tilespmem:s17+$0x10];
	_ =	sdelay $0x4  }
0xd6: {  	v60 =	vsub.s32 v3, v0  }
0xd7: {  	v3 =	vand.u32 $0x7F, v3;
	vm12 =	vlt.u32 v60, $0x13180;
	v4 =	vand.u32 $0xFFFFFF80, v60  }
0xd8: {  	v3 =	vor.u32 v3, v4;
	_ =	sdelay $0x4  }
0xd9: {  	[tilespmem:v3+s2+$0x0] =	vst.idx.add.f32.msk vm12, v2  }
0xda: {  	v3 =	vld [tilespmem:s17+$0x20];
	_ =	sdelay $0x4  }
0xdb: {  	v61 =	vsub.s32 v3, v0  }
0xdc: {  	v3 =	vand.u32 $0x7F, v3;
	vm13 =	vlt.u32 v61, $0x13180;
	v4 =	vand.u32 $0xFFFFFF80, v61  }
0xdd: {  	v3 =	vor.u32 v3, v4;
	_ =	sdelay $0x4  }
0xde: {  	s19 =	sand.u32 $0x7FE0, s18;
	[tilespmem:v3+s2+$0x0] =	vst.idx.add.f32.msk vm13, v2  }
0xdf: {  	v3 =	vld [tilespmem:s19+$0x13200];
	_ =	sdelay $0x4  }
0xe0: {  	v62 =	vsub.s32 v3, v0  }
0xe1: {  	v3 =	vand.u32 $0x7F, v3;
	vm14 =	vlt.u32 v62, $0x13180;
	v4 =	vand.u32 $0xFFFFFF80, v62  }
0xe2: {  	v3 =	vor.u32 v3, v4;
	_ =	sdelay $0x4  }
0xe3: {  	[tilespmem:v3+s2+$0x0] =	vst.idx.add.f32.msk vm14, v2  }
0xe4: {  	v3 =	vld [tilespmem:s17+$0x40];
	_ =	sdelay $0x4  }
0xe5: {  	v63 =	vsub.s32 v3, v0  }
0xe6: {  	v3 =	vand.u32 $0x7F, v3;
	vm15 =	vlt.u32 v63, $0x13180;
	v4 =	vand.u32 $0xFFFFFF80, v63  }
0xe7: {  	p0 =	sne.s32 s18, $0x4D80;
	v3 =	vor.u32 v3, v4  }
.Ltmp5:
0xe8: {  	_ = 	snop;
	(pc) =	sbr.rel @p0 .LBB2_13-.Ltmp5, $2  }
0xe9: {  	_ =	sdelay $0x2  }
0xea: {  	s18 =	sadd.s32 $0xA0, s18;
	s17 =	sadd.s32 $0xA0, s17;
	[tilespmem:v3+s2+$0x0] =	vst.idx.add.f32.msk vm15, v2  }
0xeb: {  	p0 =	seq.s32 s15, $0x7  }
0xec: {  	s16 =	sshrl.u32 @!p0 s16, $0x3  }
0xed: {  	s16 =	sadd.s32 @!p0 s4, s16  }
0xee: {  	s17 =	simm.s32 @!p0 $0x0;
	s18 =	simm.s32 @!p0 $0x13180;
	s16 =	sadd.s32 @!p0 $0x1388, s16  }
0xef: {  	[tilespmem:s18], [sflag:$0x1] =	stream.linear.gather @!p0 [hbm4b:s16+s17], $0x4E20, $0x38;
	[tilespmem:$0x1CE80] =	vst v63  }
0xf0: {  	_ =	swait.ge [sflag:s11], $0x4E20  }
0xf1: {  	[sflag:s11] =	ssyncset.done $0x0  }
0xf2: {  	s16 =	simm.s32 $0x0;
	s17 =	simm.s32 $0x18050;
	[sflag:s11] =	ssyncadd.s32 $0xFFFFB1E0  }
.LBB2_15:
0xf3: {  	v3 =	vld [tilespmem:s17+$0xFFFFFFB0];
	_ =	sdelay $0x4  }
0xf4: {  	v4 =	vsub.s32 v3, v0  }
0xf5: {  	v3 =	vand.u32 $0x7F, v3;
	vm0 =	vlt.u32 v4, $0x13180;
	v4 =	vand.u32 $0xFFFFFF80, v4  }
0xf6: {  	v3 =	vor.u32 v3, v4;
	_ =	sdelay $0x4  }
0xf7: {  	[tilespmem:v3+s2+$0x0] =	vst.idx.add.f32.msk vm0, v2  }
0xf8: {  	v3 =	vld [tilespmem:s17+$0xFFFFFFC0];
	_ =	sdelay $0x4  }
0xf9: {  	v55 =	vsub.s32 v3, v0  }
0xfa: {  	v3 =	vand.u32 $0x7F, v3;
	vm7 =	vlt.u32 v55, $0x13180;
	v4 =	vand.u32 $0xFFFFFF80, v55  }
0xfb: {  	v3 =	vor.u32 v3, v4;
	_ =	sdelay $0x4  }
0xfc: {  	[tilespmem:v3+s2+$0x0] =	vst.idx.add.f32.msk vm7, v2  }
0xfd: {  	v3 =	vld [tilespmem:s17+$0xFFFFFFD0];
	_ =	sdelay $0x4  }
0xfe: {  	v56 =	vsub.s32 v3, v0  }
0xff: {  	v3 =	vand.u32 $0x7F, v3;
	vm8 =	vlt.u32 v56, $0x13180;
	v4 =	vand.u32 $0xFFFFFF80, v56  }
0x100: {  	v3 =	vor.u32 v3, v4;
	_ =	sdelay $0x4  }
0x101: {  	[tilespmem:v3+s2+$0x0] =	vst.idx.add.f32.msk vm8, v2  }
0x102: {  	v3 =	vld [tilespmem:s17+$0xFFFFFFE0];
	_ =	sdelay $0x4  }
0x103: {  	v57 =	vsub.s32 v3, v0  }
0x104: {  	v3 =	vand.u32 $0x7F, v3;
	vm9 =	vlt.u32 v57, $0x13180;
	v4 =	vand.u32 $0xFFFFFF80, v57  }
0x105: {  	v3 =	vor.u32 v3, v4;
	_ =	sdelay $0x4  }
0x106: {  	[tilespmem:v3+s2+$0x0] =	vst.idx.add.f32.msk vm9, v2  }
0x107: {  	v3 =	vld [tilespmem:s17+$0xFFFFFFF0];
	_ =	sdelay $0x4  }
0x108: {  	v58 =	vsub.s32 v3, v0  }
0x109: {  	v3 =	vand.u32 $0x7F, v3;
	vm10 =	vlt.u32 v58, $0x13180;
	v4 =	vand.u32 $0xFFFFFF80, v58  }
0x10a: {  	v3 =	vor.u32 v3, v4;
	_ =	sdelay $0x4  }
0x10b: {  	[tilespmem:v3+s2+$0x0] =	vst.idx.add.f32.msk vm10, v2  }
0x10c: {  	v3 =	vld [tilespmem:s17+$0x0];
	_ =	sdelay $0x4  }
0x10d: {  	v59 =	vsub.s32 v3, v0  }
0x10e: {  	v3 =	vand.u32 $0x7F, v3;
	vm11 =	vlt.u32 v59, $0x13180;
	v4 =	vand.u32 $0xFFFFFF80, v59  }
0x10f: {  	v3 =	vor.u32 v3, v4;
	_ =	sdelay $0x4  }
0x110: {  	[tilespmem:v3+s2+$0x0] =	vst.idx.add.f32.msk vm11, v2  }
0x111: {  	v3 =	vld [tilespmem:s17+$0x10];
	_ =	sdelay $0x4  }
0x112: {  	v60 =	vsub.s32 v3, v0  }
0x113: {  	v3 =	vand.u32 $0x7F, v3;
	vm12 =	vlt.u32 v60, $0x13180;
	v4 =	vand.u32 $0xFFFFFF80, v60  }
0x114: {  	v3 =	vor.u32 v3, v4;
	_ =	sdelay $0x4  }
0x115: {  	[tilespmem:v3+s2+$0x0] =	vst.idx.add.f32.msk vm12, v2  }
0x116: {  	v3 =	vld [tilespmem:s17+$0x20];
	_ =	sdelay $0x4  }
0x117: {  	v61 =	vsub.s32 v3, v0  }
0x118: {  	v3 =	vand.u32 $0x7F, v3;
	vm13 =	vlt.u32 v61, $0x13180;
	v4 =	vand.u32 $0xFFFFFF80, v61  }
0x119: {  	v3 =	vor.u32 v3, v4;
	_ =	sdelay $0x4  }
0x11a: {  	s18 =	sand.u32 $0x7FE0, s16;
	[tilespmem:v3+s2+$0x0] =	vst.idx.add.f32.msk vm13, v2  }
0x11b: {  	v3 =	vld [tilespmem:s18+$0x18080];
	_ =	sdelay $0x4  }
0x11c: {  	v62 =	vsub.s32 v3, v0  }
0x11d: {  	v3 =	vand.u32 $0x7F, v3;
	vm14 =	vlt.u32 v62, $0x13180;
	v4 =	vand.u32 $0xFFFFFF80, v62  }
0x11e: {  	v3 =	vor.u32 v3, v4;
	_ =	sdelay $0x4  }
0x11f: {  	[tilespmem:v3+s2+$0x0] =	vst.idx.add.f32.msk vm14, v2  }
0x120: {  	v3 =	vld [tilespmem:s17+$0x40];
	_ =	sdelay $0x4  }
0x121: {  	v63 =	vsub.s32 v3, v0  }
0x122: {  	v3 =	vand.u32 $0x7F, v3;
	vm15 =	vlt.u32 v63, $0x13180;
	v4 =	vand.u32 $0xFFFFFF80, v63  }
0x123: {  	p0 =	sne.s32 s16, $0x4D80;
	v3 =	vor.u32 v3, v4  }
.Ltmp6:
0x124: {  	_ = 	snop;
	(pc) =	sbr.rel @p0 .LBB2_15-.Ltmp6, $2  }
0x125: {  	_ =	sdelay $0x2  }
0x126: {  	s16 =	sadd.s32 $0xA0, s16;
	s17 =	sadd.s32 $0xA0, s17;
	[tilespmem:v3+s2+$0x0] =	vst.idx.add.f32.msk vm15, v2  }
0x127: {  	s15 =	sadd.s32 $0x1, s15  }
0x128: {  	p0 =	sne.s32 s15, $0x8  }
.Ltmp7:
0x129: {  	_ = 	snop;
	(pc) =	sbr.rel @p0 .LBB2_12-.Ltmp7, $1  }
0x12a: {  	_ =	sdelay $0x3  }
0x12b: {  	s13 =	sadd.s32 $0x1, s13  }
0x12c: {  	p0 =	sne.s32 s13, s7  }
.Ltmp8:
0x12d: {  	_ = 	snop;
	(pc) =	sbr.rel @p0 .LBB2_1-.Ltmp8, $4  }
0x12e: {  	[hbm4b:s6+s2] =	stream.linear.scatter [tilespmem:s2], [sflag:$0x3], $0x13180, $0x38;
	[tilespmem:$0x1CE80] =	vst v63  }
0x12f: {  	_ =	swait.ge [sflag:s12], $0x13180  }
0x130: {  	[sflag:s12] =	ssyncset.done $0x0  }
0x131: {  	[sflag:s12] =	ssyncadd.s32 $0xFFFECE80  }
0x132: {  	_ =	sfence.sel $0x180000  }
0x133: {  	[bflag:$0x0] =	sbarrier.arrive $0xFFFF  }
0x134: {  	p0 =	sne.s32 s0, $0x0;
	_ =	strace $0x90000047  }
0x135: {  	s0 =	sadd.s32 @!p0 $0x100000, s1;
	[bflag:$0x2] =	sbarrier.arrive $0xFFFF  }
0x136: {  	[sflag:s0] =	ssyncadd.tile.s32 @!p0 $0x1;
	_ =	shalt  }
.Lfunc_end2:
_tile_overlayer_lowered:
.L_overlay_start_2:
0x137: {  	(tag) =	ssettag $0x2  }
0x138: {  	s0 =	rddreg [dreg:$0x0];
	s2 =	stileid.u32  }
0x139: {  	s1 =	rddreg [dreg:$0x1];
	p0 =	sne.s32 s2, $0x0  }
0x13a: {  	s3 =	rddreg [dreg:$0x2];
	[bflag:$0x3] =	sbarrier.arrive $0xFFFF;
	s2 =	simm.s32 @!p0 $0x1C03  }
0x13b: {  	[timem:s3], [sflag:s2] =	dma.local @!p0 [hbm:s0], s1  }
0x13c: {  	s0 =	simm.s32 @!p0 $0x3  }
0x13d: {  	_ =	swait.ge @!p0 [sflag:s0], s1  }
0x13e: {  	s1 =	ssub.s32 @!p0 $0x0, s1;
	[sflag:s0] =	ssyncset.done @!p0 $0x0  }
0x13f: {  	[sflag:s0] =	ssyncadd.s32 @!p0 s1  }
0x140: {  	[bflag:$0x3] =	sbarrier.arrive $0xFFFF  }
0x141: {  	_ =	shalt  }

</sc_bundles>
